<compile_context>
chip_gen: v7x
topology: tpu7x:2x2x1
jax: 0.10.2.dev20260603
libtpu: 0.0.44.dev20260713+nightly
codegen_flags: <defaults>
</compile_context>

<pallas_src>
import functools

import jax
import jax.numpy as jnp
from jax import lax
from jax.experimental import pallas as pl
from jax.experimental.pallas import tpu as pltpu
from jax.experimental.pallas import tpu_sc as plsc

NUM_CORES = 2
NUM_SUBCORES = 16
NUM_WORKERS = NUM_CORES * NUM_SUBCORES

BATCH = 16384
DIM = 32
B_PER_W = BATCH // NUM_WORKERS
LANES = 16
BATCH_IDX = 16
N_ROUNDS = B_PER_W // BATCH_IDX

_mesh = plsc.VectorSubcoreMesh(core_axis_name="c", subcore_axis_name="s")


@functools.partial(
    pl.kernel,
    mesh=_mesh,
    out_type=jax.ShapeDtypeStruct((DIM, BATCH), jnp.float32),
    compiler_params=pltpu.CompilerParams(needs_layout_passes=False),
    scratch_types=[
        pltpu.VMEM((B_PER_W,), jnp.int32),
        pltpu.VMEM((BATCH_IDX, DIM, 128), jnp.float32),
        pltpu.VMEM((DIM, B_PER_W), jnp.float32),
        pltpu.SemaphoreType.DMA,
    ],
)
def _gather_t(idx_hbm, table_t_hbm, out_t_hbm, idx_v, chunks_v, cols_v, sem):
    wid = lax.axis_index("s") * NUM_CORES + lax.axis_index("c")
    base = wid * B_PER_W
    pltpu.sync_copy(idx_hbm.at[pl.ds(base, B_PER_W)], idx_v)

    rows_lo = lax.iota(jnp.int32, LANES)
    rows_hi = rows_lo + LANES

    def round_body(b, carry):
        tvec = idx_v[pl.ds(b * BATCH_IDX, BATCH_IDX)]
        g_vec = lax.shift_right_logical(tvec, 7)
        c_vec = lax.bitwise_and(tvec, 127)
        for l in range(BATCH_IDX):
            start = pl.multiple_of(g_vec[l] * 128, 128)
            pltpu.async_copy(
                table_t_hbm.at[:, pl.ds(start, 128)], chunks_v.at[l], sem
            )
        for l in range(BATCH_IDX):
            pltpu.make_async_copy(
                table_t_hbm.at[:, pl.ds(0, 128)], chunks_v.at[l], sem
            ).wait()
        for l in range(BATCH_IDX):
            col = jnp.full((LANES,), c_vec[l], jnp.int32)
            i_col = jnp.full((LANES,), b * BATCH_IDX + l, jnp.int32)
            v_lo = plsc.load_gather(chunks_v.at[l], [rows_lo, col])
            v_hi = plsc.load_gather(chunks_v.at[l], [rows_hi, col])
            plsc.store_scatter(cols_v, [rows_lo, i_col], v_lo)
            plsc.store_scatter(cols_v, [rows_hi, i_col], v_hi)
        return carry

    lax.fori_loop(0, N_ROUNDS, round_body, 0)
    pltpu.sync_copy(cols_v, out_t_hbm.at[:, pl.ds(base, B_PER_W)])


def kernel(indices, latents):
    out_t = _gather_t(indices.astype(jnp.int32), latents.T)
    return out_t.T

# --- scband reference (transcript-rebuilt; emitter-appended) ---
"""Pipeline reference for scband-latent-variables-58523224375793 (READ-ONLY COPY).

The authoritative reference and input builder live on the scoring server;
editing this copy changes nothing except your own understanding.
"""

import jax, jax.numpy as jnp
import numpy as np

NUM_PARTS = 1000000
LATENT_DIM = (32,)
BATCH = 16384

def setup_inputs(seed: int = 0) -> dict:
    key = jax.random.key(seed)
    k1, k2 = jax.random.split(key)
    latents = jax.random.normal(k1, (NUM_PARTS,) + LATENT_DIM, dtype=jnp.float32)
    indices = jax.random.randint(k2, (BATCH,), 0, NUM_PARTS, dtype=jnp.int64 if jax.config.jax_enable_x64 else jnp.int32)
    return {"indices": indices, "latents": latents}

def reference(indices, latents):
    # Faithful translation of: return self.latents[indices]
    return jnp.take(latents, indices, axis=0)

if __name__ == "__main__":
    import jax
    _d = setup_inputs()
    print(jax.jit(kernel)(*tuple(_d.values())))

</pallas_src>

<mosaic_0001>
#map = affine_map<(d0, d1) -> (0)>
#map1 = affine_map<(d0, d1) -> (0, 0)>
module attributes {stable_mosaic.version = 14 : i64} {
  func.func @_gather_t(%arg0: i32, %arg1: i32, %arg2: memref<16384xi32, #tpu.memory_space<hbm>>, %arg3: memref<32x1000000xf32, #tpu.memory_space<hbm>>, %arg4: memref<32x16384xf32, #tpu.memory_space<hbm>>, %arg5: memref<512xi32, #tpu.memory_space<vmem>>, %arg6: memref<16x32x128xf32, #tpu.memory_space<vmem>>, %arg7: memref<32x512xf32, #tpu.memory_space<vmem>>, %arg8: memref<!tpu.dma_semaphore, #tpu.memory_space<semaphore_mem>>) attributes {dimension_semantics = [#tpu.dimension_semantics<core_parallel>, #tpu.dimension_semantics<subcore_parallel>], iteration_bounds = array<i64: 2, 16>, scalar_prefetch = 0 : i64, scratch_operands = 4 : i64, tpu.core_type = #tpu.core_type<sc_vector_subcore>, window_params = [{transform_indices = #map}, {transform_indices = #map1}, {transform_indices = #map1}]} {
    %mul3A = arith.constant 2 : i32
    %mul3A_0 = arith.muli %arg1, %mul3A : i32
    %add3A = arith.addi %mul3A_0, %arg0 : i32
    %mul3A_1 = arith.constant 512 : i32
    %mul3A_2 = arith.muli %add3A, %mul3A_1 : i32
    "tpu.region"() ({
      %run_scoped3A = tpu.sem_alloc : memref<!tpu.dma_semaphore, #tpu.memory_space<semaphore_mem>>
      %dma_start3A = tpu.memref_slice %arg2[%mul3A_2] : memref<16384xi32, #tpu.memory_space<hbm>> -> memref<512xi32, #tpu.memory_space<hbm>>
      %dma_start3A_11 = tpu.memref_slice %arg2[%mul3A_2] : memref<16384xi32, #tpu.memory_space<hbm>> -> memref<512xi32, #tpu.memory_space<hbm>>
      tpu.enqueue_dma source(%dma_start3A_11 : memref<512xi32, #tpu.memory_space<hbm>>) target(%arg5 : memref<512xi32, #tpu.memory_space<vmem>>) target_semaphore(%run_scoped3A : memref<!tpu.dma_semaphore, #tpu.memory_space<semaphore_mem>>)
      %dma_wait3A = tpu.memref_slice %arg2[%mul3A_2] : memref<16384xi32, #tpu.memory_space<hbm>> -> memref<512xi32, #tpu.memory_space<hbm>>
      %dma_wait3A_12 = tpu.memref_slice %arg2[%mul3A_2] : memref<16384xi32, #tpu.memory_space<hbm>> -> memref<512xi32, #tpu.memory_space<hbm>>
      tpu.wait_dma2 semaphore(%run_scoped3A : memref<!tpu.dma_semaphore, #tpu.memory_space<semaphore_mem>>) src(%dma_wait3A_12 : memref<512xi32, #tpu.memory_space<hbm>>) dst(%arg5 : memref<512xi32, #tpu.memory_space<vmem>>)
      tpu.yield
    }) : () -> ()
    %iota3A = tpu.iota {dimensions = array<i32: 0>} : vector<16xi32>
    %add3A_3 = arith.constant 16 : i32
    %add3A_4 = vector.broadcast %add3A_3 : i32 to vector<16xi32>
    %add3A_5 = arith.addi %iota3A, %add3A_4 : vector<16xi32>
    %scan3A = arith.constant 0 : i32
    %scan3A_6 = arith.constant 0 : i32
    %scan3A_7 = arith.constant 32 : i32
    %scan3A_8 = arith.addi %scan3A_6, %scan3A_7 : i32
    %scan3A_9 = arith.constant 1 : i32
    scf.for %scan3A_11 = %scan3A_6 to %scan3A_8 step %scan3A_9  : i32 {
      %mul3A_12 = arith.constant 16 : i32
      %mul3A_13 = arith.muli %scan3A_11, %mul3A_12 : i32
      %get3A = arith.index_cast %mul3A_13 : i32 to index
      %get3A_14 = tpu.vector_load %arg5[%get3A] {strides = array<i32>} : memref<512xi32, #tpu.memory_space<vmem>>, vector<16xi32>,
      %shift_right_logical3A = arith.constant 7 : i32
      %shift_right_logical3A_15 = vector.broadcast %shift_right_logical3A : i32 to vector<16xi32>
      %shift_right_logical3A_16 = arith.shrui %get3A_14, %shift_right_logical3A_15 : vector<16xi32>
      %and3A = arith.constant 127 : i32
      %and3A_17 = vector.broadcast %and3A : i32 to vector<16xi32>
      %and3A_18 = arith.andi %get3A_14, %and3A_17 : vector<16xi32>
      %slice3A = vector.extract_strided_slice %shift_right_logical3A_16 {offsets = [0], sizes = [1], strides = [1]} : vector<16xi32> to vector<1xi32>
      %squeeze3A = vector.extract %slice3A[0] : i32 from vector<1xi32>
      %mul3A_19 = arith.constant 128 : i32
      %mul3A_20 = arith.muli %squeeze3A, %mul3A_19 : i32
      %multiple_of3A = tpu.assume_multiple %mul3A_20, 128 : i32
      %dma_start3A = arith.constant 0 : i32
      %dma_start3A_21 = arith.constant 0 : i32
      %dma_start3A_22 = arith.constant 0 : i32
      %dma_start3A_23 = tpu.memref_slice %arg6[%dma_start3A, %dma_start3A_21, %dma_start3A_22] : memref<16x32x128xf32, #tpu.memory_space<vmem>> -> memref<1x32x128xf32, #tpu.memory_space<vmem>>
      %dma_start3A_24 = tpu.memref_squeeze %dma_start3A_23 : memref<1x32x128xf32, #tpu.memory_space<vmem>> -> memref<32x128xf32, #tpu.memory_space<vmem>>
      %dma_start3A_25 = arith.constant 0 : i32
      %dma_start3A_26 = tpu.memref_slice %arg3[%dma_start3A_25, %multiple_of3A] : memref<32x1000000xf32, #tpu.memory_space<hbm>> -> memref<32x128xf32, #tpu.memory_space<hbm>>
      %dma_start3A_27 = arith.constant 0 : i32
      %dma_start3A_28 = arith.constant 0 : i32
      %dma_start3A_29 = tpu.memref_slice %arg6[%dma_start3A, %dma_start3A_27, %dma_start3A_28] : memref<16x32x128xf32, #tpu.memory_space<vmem>> -> memref<1x32x128xf32, #tpu.memory_space<vmem>>
      %dma_start3A_30 = tpu.memref_squeeze %dma_start3A_29 : memref<1x32x128xf32, #tpu.memory_space<vmem>> -> memref<32x128xf32, #tpu.memory_space<vmem>>
      %dma_start3A_31 = arith.constant 0 : i32
      %dma_start3A_32 = tpu.memref_slice %arg3[%dma_start3A_31, %multiple_of3A] : memref<32x1000000xf32, #tpu.memory_space<hbm>> -> memref<32x128xf32, #tpu.memory_space<hbm>>
      tpu.enqueue_dma source(%dma_start3A_32 : memref<32x128xf32, #tpu.memory_space<hbm>>) target(%dma_start3A_30 : memref<32x128xf32, #tpu.memory_space<vmem>>) target_semaphore(%arg8 : memref<!tpu.dma_semaphore, #tpu.memory_space<semaphore_mem>>)
      %slice3A_33 = vector.extract_strided_slice %shift_right_logical3A_16 {offsets = [1], sizes = [1], strides = [1]} : vector<16xi32> to vector<1xi32>
      %squeeze3A_34 = vector.extract %slice3A_33[0] : i32 from vector<1xi32>
      %mul3A_35 = arith.constant 128 : i32
      %mul3A_36 = arith.muli %squeeze3A_34, %mul3A_35 : i32
      %multiple_of3A_37 = tpu.assume_multiple %mul3A_36, 128 : i32
      %dma_start3A_38 = arith.constant 1 : i32
      %dma_start3A_39 = arith.constant 0 : i32
      %dma_start3A_40 = arith.constant 0 : i32
      %dma_start3A_41 = tpu.memref_slice %arg6[%dma_start3A_38, %dma_start3A_39, %dma_start3A_40] : memref<16x32x128xf32, #tpu.memory_space<vmem>> -> memref<1x32x128xf32, #tpu.memory_space<vmem>>
      %dma_start3A_42 = tpu.memref_squeeze %dma_start3A_41 : memref<1x32x128xf32, #tpu.memory_space<vmem>> -> memref<32x128xf32, #tpu.memory_space<vmem>>
      %dma_start3A_43 = arith.constant 0 : i32
      %dma_start3A_44 = tpu.memref_slice %arg3[%dma_start3A_43, %multiple_of3A_37] : memref<32x1000000xf32, #tpu.memory_space<hbm>> -> memref<32x128xf32, #tpu.memory_space<hbm>>
      %dma_start3A_45 = arith.constant 0 : i32
      %dma_start3A_46 = arith.constant 0 : i32
      %dma_start3A_47 = tpu.memref_slice %arg6[%dma_start3A_38, %dma_start3A_45, %dma_start3A_46] : memref<16x32x128xf32, #tpu.memory_space<vmem>> -> memref<1x32x128xf32, #tpu.memory_space<vmem>>
      %dma_start3A_48 = tpu.memref_squeeze %dma_start3A_47 : memref<1x32x128xf32, #tpu.memory_space<vmem>> -> memref<32x128xf32, #tpu.memory_space<vmem>>
      %dma_start3A_49 = arith.constant 0 : i32
      %dma_start3A_50 = tpu.memref_slice %arg3[%dma_start3A_49, %multiple_of3A_37] : memref<32x1000000xf32, #tpu.memory_space<hbm>> -> memref<32x128xf32, #tpu.memory_space<hbm>>
      tpu.enqueue_dma source(%dma_start3A_50 : memref<32x128xf32, #tpu.memory_space<hbm>>) target(%dma_start3A_48 : memref<32x128xf32, #tpu.memory_space<vmem>>) target_semaphore(%arg8 : memref<!tpu.dma_semaphore, #tpu.memory_space<semaphore_mem>>)
      %slice3A_51 = vector.extract_strided_slice %shift_right_logical3A_16 {offsets = [2], sizes = [1], strides = [1]} : vector<16xi32> to vector<1xi32>
      %squeeze3A_52 = vector.extract %slice3A_51[0] : i32 from vector<1xi32>
      %mul3A_53 = arith.constant 128 : i32
      %mul3A_54 = arith.muli %squeeze3A_52, %mul3A_53 : i32
      %multiple_of3A_55 = tpu.assume_multiple %mul3A_54, 128 : i32
      %dma_start3A_56 = arith.constant 2 : i32
      %dma_start3A_57 = arith.constant 0 : i32
      %dma_start3A_58 = arith.constant 0 : i32
      %dma_start3A_59 = tpu.memref_slice %arg6[%dma_start3A_56, %dma_start3A_57, %dma_start3A_58] : memref<16x32x128xf32, #tpu.memory_space<vmem>> -> memref<1x32x128xf32, #tpu.memory_space<vmem>>
      %dma_start3A_60 = tpu.memref_squeeze %dma_start3A_59 : memref<1x32x128xf32, #tpu.memory_space<vmem>> -> memref<32x128xf32, #tpu.memory_space<vmem>>
      %dma_start3A_61 = arith.constant 0 : i32
      %dma_start3A_62 = tpu.memref_slice %arg3[%dma_start3A_61, %multiple_of3A_55] : memref<32x1000000xf32, #tpu.memory_space<hbm>> -> memref<32x128xf32, #tpu.memory_space<hbm>>
      %dma_start3A_63 = arith.constant 0 : i32
      %dma_start3A_64 = arith.constant 0 : i32
      %dma_start3A_65 = tpu.memref_slice %arg6[%dma_start3A_56, %dma_start3A_63, %dma_start3A_64] : memref<16x32x128xf32, #tpu.memory_space<vmem>> -> memref<1x32x128xf32, #tpu.memory_space<vmem>>
      %dma_start3A_66 = tpu.memref_squeeze %dma_start3A_65 : memref<1x32x128xf32, #tpu.memory_space<vmem>> -> memref<32x128xf32, #tpu.memory_space<vmem>>
      %dma_start3A_67 = arith.constant 0 : i32
      %dma_start3A_68 = tpu.memref_slice %arg3[%dma_start3A_67, %multiple_of3A_55] : memref<32x1000000xf32, #tpu.memory_space<hbm>> -> memref<32x128xf32, #tpu.memory_space<hbm>>
      tpu.enqueue_dma source(%dma_start3A_68 : memref<32x128xf32, #tpu.memory_space<hbm>>) target(%dma_start3A_66 : memref<32x128xf32, #tpu.memory_space<vmem>>) target_semaphore(%arg8 : memref<!tpu.dma_semaphore, #tpu.memory_space<semaphore_mem>>)
      %slice3A_69 = vector.extract_strided_slice %shift_right_logical3A_16 {offsets = [3], sizes = [1], strides = [1]} : vector<16xi32> to vector<1xi32>
      %squeeze3A_70 = vector.extract %slice3A_69[0] : i32 from vector<1xi32>
      %mul3A_71 = arith.constant 128 : i32
      %mul3A_72 = arith.muli %squeeze3A_70, %mul3A_71 : i32
      %multiple_of3A_73 = tpu.assume_multiple %mul3A_72, 128 : i32
      %dma_start3A_74 = arith.constant 3 : i32
      %dma_start3A_75 = arith.constant 0 : i32
      %dma_start3A_76 = arith.constant 0 : i32
      %dma_start3A_77 = tpu.memref_slice %arg6[%dma_start3A_74, %dma_start3A_75, %dma_start3A_76] : memref<16x32x128xf32, #tpu.memory_space<vmem>> -> memref<1x32x128xf32, #tpu.memory_space<vmem>>
      %dma_start3A_78 = tpu.memref_squeeze %dma_start3A_77 : memref<1x32x128xf32, #tpu.memory_space<vmem>> -> memref<32x128xf32, #tpu.memory_space<vmem>>
      %dma_start3A_79 = arith.constant 0 : i32
      %dma_start3A_80 = tpu.memref_slice %arg3[%dma_start3A_79, %multiple_of3A_73] : memref<32x1000000xf32, #tpu.memory_space<hbm>> -> memref<32x128xf32, #tpu.memory_space<hbm>>
      %dma_start3A_81 = arith.constant 0 : i32
      %dma_start3A_82 = arith.constant 0 : i32
      %dma_start3A_83 = tpu.memref_slice %arg6[%dma_start3A_74, %dma_start3A_81, %dma_start3A_82] : memref<16x32x128xf32, #tpu.memory_space<vmem>> -> memref<1x32x128xf32, #tpu.memory_space<vmem>>
      %dma_start3A_84 = tpu.memref_squeeze %dma_start3A_83 : memref<1x32x128xf32, #tpu.memory_space<vmem>> -> memref<32x128xf32, #tpu.memory_space<vmem>>
      %dma_start3A_85 = arith.constant 0 : i32
      %dma_start3A_86 = tpu.memref_slice %arg3[%dma_start3A_85, %multiple_of3A_73] : memref<32x1000000xf32, #tpu.memory_space<hbm>> -> memref<32x128xf32, #tpu.memory_space<hbm>>
      tpu.enqueue_dma source(%dma_start3A_86 : memref<32x128xf32, #tpu.memory_space<hbm>>) target(%dma_start3A_84 : memref<32x128xf32, #tpu.memory_space<vmem>>) target_semaphore(%arg8 : memref<!tpu.dma_semaphore, #tpu.memory_space<semaphore_mem>>)
      %slice3A_87 = vector.extract_strided_slice %shift_right_logical3A_16 {offsets = [4], sizes = [1], strides = [1]} : vector<16xi32> to vector<1xi32>
      %squeeze3A_88 = vector.extract %slice3A_87[0] : i32 from vector<1xi32>
      %mul3A_89 = arith.constant 128 : i32
      %mul3A_90 = arith.muli %squeeze3A_88, %mul3A_89 : i32
      %multiple_of3A_91 = tpu.assume_multiple %mul3A_90, 128 : i32
      %dma_start3A_92 = arith.constant 4 : i32
      %dma_start3A_93 = arith.constant 0 : i32
      %dma_start3A_94 = arith.constant 0 : i32
      %dma_start3A_95 = tpu.memref_slice %arg6[%dma_start3A_92, %dma_start3A_93, %dma_start3A_94] : memref<16x32x128xf32, #tpu.memory_space<vmem>> -> memref<1x32x128xf32, #tpu.memory_space<vmem>>
      %dma_start3A_96 = tpu.memref_squeeze %dma_start3A_95 : memref<1x32x128xf32, #tpu.memory_space<vmem>> -> memref<32x128xf32, #tpu.memory_space<vmem>>
      %dma_start3A_97 = arith.constant 0 : i32
      %dma_start3A_98 = tpu.memref_slice %arg3[%dma_start3A_97, %multiple_of3A_91] : memref<32x1000000xf32, #tpu.memory_space<hbm>> -> memref<32x128xf32, #tpu.memory_space<hbm>>
      %dma_start3A_99 = arith.constant 0 : i32
      %dma_start3A_100 = arith.constant 0 : i32
      %dma_start3A_101 = tpu.memref_slice %arg6[%dma_start3A_92, %dma_start3A_99, %dma_start3A_100] : memref<16x32x128xf32, #tpu.memory_space<vmem>> -> memref<1x32x128xf32, #tpu.memory_space<vmem>>
      %dma_start3A_102 = tpu.memref_squeeze %dma_start3A_101 : memref<1x32x128xf32, #tpu.memory_space<vmem>> -> memref<32x128xf32, #tpu.memory_space<vmem>>
      %dma_start3A_103 = arith.constant 0 : i32
      %dma_start3A_104 = tpu.memref_slice %arg3[%dma_start3A_103, %multiple_of3A_91] : memref<32x1000000xf32, #tpu.memory_space<hbm>> -> memref<32x128xf32, #tpu.memory_space<hbm>>
      tpu.enqueue_dma source(%dma_start3A_104 : memref<32x128xf32, #tpu.memory_space<hbm>>) target(%dma_start3A_102 : memref<32x128xf32, #tpu.memory_space<vmem>>) target_semaphore(%arg8 : memref<!tpu.dma_semaphore, #tpu.memory_space<semaphore_mem>>)
      %slice3A_105 = vector.extract_strided_slice %shift_right_logical3A_16 {offsets = [5], sizes = [1], strides = [1]} : vector<16xi32> to vector<1xi32>
      %squeeze3A_106 = vector.extract %slice3A_105[0] : i32 from vector<1xi32>
      %mul3A_107 = arith.constant 128 : i32
      %mul3A_108 = arith.muli %squeeze3A_106, %mul3A_107 : i32
      %multiple_of3A_109 = tpu.assume_multiple %mul3A_108, 128 : i32
      %dma_start3A_110 = arith.constant 5 : i32
      %dma_start3A_111 = arith.constant 0 : i32
      %dma_start3A_112 = arith.constant 0 : i32
      %dma_start3A_113 = tpu.memref_slice %arg6[%dma_start3A_110, %dma_start3A_111, %dma_start3A_112] : memref<16x32x128xf32, #tpu.memory_space<vmem>> -> memref<1x32x128xf32, #tpu.memory_space<vmem>>
      %dma_start3A_114 = tpu.memref_squeeze %dma_start3A_113 : memref<1x32x128xf32, #tpu.memory_space<vmem>> -> memref<32x128xf32, #tpu.memory_space<vmem>>
      %dma_start3A_115 = arith.constant 0 : i32
      %dma_start3A_116 = tpu.memref_slice %arg3[%dma_start3A_115, %multiple_of3A_109] : memref<32x1000000xf32, #tpu.memory_space<hbm>> -> memref<32x128xf32, #tpu.memory_space<hbm>>
      %dma_start3A_117 = arith.constant 0 : i32
      %dma_start3A_118 = arith.constant 0 : i32
      %dma_start3A_119 = tpu.memref_slice %arg6[%dma_start3A_110, %dma_start3A_117, %dma_start3A_118] : memref<16x32x128xf32, #tpu.memory_space<vmem>> -> memref<1x32x128xf32, #tpu.memory_space<vmem>>
      %dma_start3A_120 = tpu.memref_squeeze %dma_start3A_119 : memref<1x32x128xf32, #tpu.memory_space<vmem>> -> memref<32x128xf32, #tpu.memory_space<vmem>>
      %dma_start3A_121 = arith.constant 0 : i32
      %dma_start3A_122 = tpu.memref_slice %arg3[%dma_start3A_121, %multiple_of3A_109] : memref<32x1000000xf32, #tpu.memory_space<hbm>> -> memref<32x128xf32, #tpu.memory_space<hbm>>
      tpu.enqueue_dma source(%dma_start3A_122 : memref<32x128xf32, #tpu.memory_space<hbm>>) target(%dma_start3A_120 : memref<32x128xf32, #tpu.memory_space<vmem>>) target_semaphore(%arg8 : memref<!tpu.dma_semaphore, #tpu.memory_space<semaphore_mem>>)
      %slice3A_123 = vector.extract_strided_slice %shift_right_logical3A_16 {offsets = [6], sizes = [1], strides = [1]} : vector<16xi32> to vector<1xi32>
      %squeeze3A_124 = vector.extract %slice3A_123[0] : i32 from vector<1xi32>
      %mul3A_125 = arith.constant 128 : i32
      %mul3A_126 = arith.muli %squeeze3A_124, %mul3A_125 : i32
      %multiple_of3A_127 = tpu.assume_multiple %mul3A_126, 128 : i32
      %dma_start3A_128 = arith.constant 6 : i32
      %dma_start3A_129 = arith.constant 0 : i32
      %dma_start3A_130 = arith.constant 0 : i32
      %dma_start3A_131 = tpu.memref_slice %arg6[%dma_start3A_128, %dma_start3A_129, %dma_start3A_130] : memref<16x32x128xf32, #tpu.memory_space<vmem>> -> memref<1x32x128xf32, #tpu.memory_space<vmem>>
      %dma_start3A_132 = tpu.memref_squeeze %dma_start3A_131 : memref<1x32x128xf32, #tpu.memory_space<vmem>> -> memref<32x128xf32, #tpu.memory_space<vmem>>
      %dma_start3A_133 = arith.constant 0 : i32
      %dma_start3A_134 = tpu.memref_slice %arg3[%dma_start3A_133, %multiple_of3A_127] : memref<32x1000000xf32, #tpu.memory_space<hbm>> -> memref<32x128xf32, #tpu.memory_space<hbm>>
      %dma_start3A_135 = arith.constant 0 : i32
      %dma_start3A_136 = arith.constant 0 : i32
      %dma_start3A_137 = tpu.memref_slice %arg6[%dma_start3A_128, %dma_start3A_135, %dma_start3A_136] : memref<16x32x128xf32, #tpu.memory_space<vmem>> -> memref<1x32x128xf32, #tpu.memory_space<vmem>>
      %dma_start3A_138 = tpu.memref_squeeze %dma_start3A_137 : memref<1x32x128xf32, #tpu.memory_space<vmem>> -> memref<32x128xf32, #tpu.memory_space<vmem>>
      %dma_start3A_139 = arith.constant 0 : i32
      %dma_start3A_140 = tpu.memref_slice %arg3[%dma_start3A_139, %multiple_of3A_127] : memref<32x1000000xf32, #tpu.memory_space<hbm>> -> memref<32x128xf32, #tpu.memory_space<hbm>>
      tpu.enqueue_dma source(%dma_start3A_140 : memref<32x128xf32, #tpu.memory_space<hbm>>) target(%dma_start3A_138 : memref<32x128xf32, #tpu.memory_space<vmem>>) target_semaphore(%arg8 : memref<!tpu.dma_semaphore, #tpu.memory_space<semaphore_mem>>)
      %slice3A_141 = vector.extract_strided_slice %shift_right_logical3A_16 {offsets = [7], sizes = [1], strides = [1]} : vector<16xi32> to vector<1xi32>
      %squeeze3A_142 = vector.extract %slice3A_141[0] : i32 from vector<1xi32>
      %mul3A_143 = arith.constant 128 : i32
      %mul3A_144 = arith.muli %squeeze3A_142, %mul3A_143 : i32
      %multiple_of3A_145 = tpu.assume_multiple %mul3A_144, 128 : i32
      %dma_start3A_146 = arith.constant 7 : i32
      %dma_start3A_147 = arith.constant 0 : i32
      %dma_start3A_148 = arith.constant 0 : i32
      %dma_start3A_149 = tpu.memref_slice %arg6[%dma_start3A_146, %dma_start3A_147, %dma_start3A_148] : memref<16x32x128xf32, #tpu.memory_space<vmem>> -> memref<1x32x128xf32, #tpu.memory_space<vmem>>
      %dma_start3A_150 = tpu.memref_squeeze %dma_start3A_149 : memref<1x32x128xf32, #tpu.memory_space<vmem>> -> memref<32x128xf32, #tpu.memory_space<vmem>>
      %dma_start3A_151 = arith.constant 0 : i32
      %dma_start3A_152 = tpu.memref_slice %arg3[%dma_start3A_151, %multiple_of3A_145] : memref<32x1000000xf32, #tpu.memory_space<hbm>> -> memref<32x128xf32, #tpu.memory_space<hbm>>
      %dma_start3A_153 = arith.constant 0 : i32
      %dma_start3A_154 = arith.constant 0 : i32
      %dma_start3A_155 = tpu.memref_slice %arg6[%dma_start3A_146, %dma_start3A_153, %dma_start3A_154] : memref<16x32x128xf32, #tpu.memory_space<vmem>> -> memref<1x32x128xf32, #tpu.memory_space<vmem>>
      %dma_start3A_156 = tpu.memref_squeeze %dma_start3A_155 : memref<1x32x128xf32, #tpu.memory_space<vmem>> -> memref<32x128xf32, #tpu.memory_space<vmem>>
      %dma_start3A_157 = arith.constant 0 : i32
      %dma_start3A_158 = tpu.memref_slice %arg3[%dma_start3A_157, %multiple_of3A_145] : memref<32x1000000xf32, #tpu.memory_space<hbm>> -> memref<32x128xf32, #tpu.memory_space<hbm>>
      tpu.enqueue_dma source(%dma_start3A_158 : memref<32x128xf32, #tpu.memory_space<hbm>>) target(%dma_start3A_156 : memref<32x128xf32, #tpu.memory_space<vmem>>) target_semaphore(%arg8 : memref<!tpu.dma_semaphore, #tpu.memory_space<semaphore_mem>>)
      %slice3A_159 = vector.extract_strided_slice %shift_right_logical3A_16 {offsets = [8], sizes = [1], strides = [1]} : vector<16xi32> to vector<1xi32>
      %squeeze3A_160 = vector.extract %slice3A_159[0] : i32 from vector<1xi32>
      %mul3A_161 = arith.constant 128 : i32
      %mul3A_162 = arith.muli %squeeze3A_160, %mul3A_161 : i32
      %multiple_of3A_163 = tpu.assume_multiple %mul3A_162, 128 : i32
      %dma_start3A_164 = arith.constant 8 : i32
      %dma_start3A_165 = arith.constant 0 : i32
      %dma_start3A_166 = arith.constant 0 : i32
      %dma_start3A_167 = tpu.memref_slice %arg6[%dma_start3A_164, %dma_start3A_165, %dma_start3A_166] : memref<16x32x128xf32, #tpu.memory_space<vmem>> -> memref<1x32x128xf32, #tpu.memory_space<vmem>>
      %dma_start3A_168 = tpu.memref_squeeze %dma_start3A_167 : memref<1x32x128xf32, #tpu.memory_space<vmem>> -> memref<32x128xf32, #tpu.memory_space<vmem>>
      %dma_start3A_169 = arith.constant 0 : i32
      %dma_start3A_170 = tpu.memref_slice %arg3[%dma_start3A_169, %multiple_of3A_163] : memref<32x1000000xf32, #tpu.memory_space<hbm>> -> memref<32x128xf32, #tpu.memory_space<hbm>>
      %dma_start3A_171 = arith.constant 0 : i32
      %dma_start3A_172 = arith.constant 0 : i32
      %dma_start3A_173 = tpu.memref_slice %arg6[%dma_start3A_164, %dma_start3A_171, %dma_start3A_172] : memref<16x32x128xf32, #tpu.memory_space<vmem>> -> memref<1x32x128xf32, #tpu.memory_space<vmem>>
      %dma_start3A_174 = tpu.memref_squeeze %dma_start3A_173 : memref<1x32x128xf32, #tpu.memory_space<vmem>> -> memref<32x128xf32, #tpu.memory_space<vmem>>
      %dma_start3A_175 = arith.constant 0 : i32
      %dma_start3A_176 = tpu.memref_slice %arg3[%dma_start3A_175, %multiple_of3A_163] : memref<32x1000000xf32, #tpu.memory_space<hbm>> -> memref<32x128xf32, #tpu.memory_space<hbm>>
      tpu.enqueue_dma source(%dma_start3A_176 : memref<32x128xf32, #tpu.memory_space<hbm>>) target(%dma_start3A_174 : memref<32x128xf32, #tpu.memory_space<vmem>>) target_semaphore(%arg8 : memref<!tpu.dma_semaphore, #tpu.memory_space<semaphore_mem>>)
      %slice3A_177 = vector.extract_strided_slice %shift_right_logical3A_16 {offsets = [9], sizes = [1], strides = [1]} : vector<16xi32> to vector<1xi32>
      %squeeze3A_178 = vector.extract %slice3A_177[0] : i32 from vector<1xi32>
      %mul3A_179 = arith.constant 128 : i32
      %mul3A_180 = arith.muli %squeeze3A_178, %mul3A_179 : i32
      %multiple_of3A_181 = tpu.assume_multiple %mul3A_180, 128 : i32
      %dma_start3A_182 = arith.constant 9 : i32
      %dma_start3A_183 = arith.constant 0 : i32
      %dma_start3A_184 = arith.constant 0 : i32
      %dma_start3A_185 = tpu.memref_slice %arg6[%dma_start3A_182, %dma_start3A_183, %dma_start3A_184] : memref<16x32x128xf32, #tpu.memory_space<vmem>> -> memref<1x32x128xf32, #tpu.memory_space<vmem>>
      %dma_start3A_186 = tpu.memref_squeeze %dma_start3A_185 : memref<1x32x128xf32, #tpu.memory_space<vmem>> -> memref<32x128xf32, #tpu.memory_space<vmem>>
      %dma_start3A_187 = arith.constant 0 : i32
      %dma_start3A_188 = tpu.memref_slice %arg3[%dma_start3A_187, %multiple_of3A_181] : memref<32x1000000xf32, #tpu.memory_space<hbm>> -> memref<32x128xf32, #tpu.memory_space<hbm>>
      %dma_start3A_189 = arith.constant 0 : i32
      %dma_start3A_190 = arith.constant 0 : i32
      %dma_start3A_191 = tpu.memref_slice %arg6[%dma_start3A_182, %dma_start3A_189, %dma_start3A_190] : memref<16x32x128xf32, #tpu.memory_space<vmem>> -> memref<1x32x128xf32, #tpu.memory_space<vmem>>
      %dma_start3A_192 = tpu.memref_squeeze %dma_start3A_191 : memref<1x32x128xf32, #tpu.memory_space<vmem>> -> memref<32x128xf32, #tpu.memory_space<vmem>>
      %dma_start3A_193 = arith.constant 0 : i32
      %dma_start3A_194 = tpu.memref_slice %arg3[%dma_start3A_193, %multiple_of3A_181] : memref<32x1000000xf32, #tpu.memory_space<hbm>> -> memref<32x128xf32, #tpu.memory_space<hbm>>
      tpu.enqueue_dma source(%dma_start3A_194 : memref<32x128xf32, #tpu.memory_space<hbm>>) target(%dma_start3A_192 : memref<32x128xf32, #tpu.memory_space<vmem>>) target_semaphore(%arg8 : memref<!tpu.dma_semaphore, #tpu.memory_space<semaphore_mem>>)
      %slice3A_195 = vector.extract_strided_slice %shift_right_logical3A_16 {offsets = [10], sizes = [1], strides = [1]} : vector<16xi32> to vector<1xi32>
      %squeeze3A_196 = vector.extract %slice3A_195[0] : i32 from vector<1xi32>
      %mul3A_197 = arith.constant 128 : i32
      %mul3A_198 = arith.muli %squeeze3A_196, %mul3A_197 : i32
      %multiple_of3A_199 = tpu.assume_multiple %mul3A_198, 128 : i32
      %dma_start3A_200 = arith.constant 10 : i32
      %dma_start3A_201 = arith.constant 0 : i32
      %dma_start3A_202 = arith.constant 0 : i32
      %dma_start3A_203 = tpu.memref_slice %arg6[%dma_start3A_200, %dma_start3A_201, %dma_start3A_202] : memref<16x32x128xf32, #tpu.memory_space<vmem>> -> memref<1x32x128xf32, #tpu.memory_space<vmem>>
      %dma_start3A_204 = tpu.memref_squeeze %dma_start3A_203 : memref<1x32x128xf32, #tpu.memory_space<vmem>> -> memref<32x128xf32, #tpu.memory_space<vmem>>
      %dma_start3A_205 = arith.constant 0 : i32
      %dma_start3A_206 = tpu.memref_slice %arg3[%dma_start3A_205, %multiple_of3A_199] : memref<32x1000000xf32, #tpu.memory_space<hbm>> -> memref<32x128xf32, #tpu.memory_space<hbm>>
      %dma_start3A_207 = arith.constant 0 : i32
      %dma_start3A_208 = arith.constant 0 : i32
      %dma_start3A_209 = tpu.memref_slice %arg6[%dma_start3A_200, %dma_start3A_207, %dma_start3A_208] : memref<16x32x128xf32, #tpu.memory_space<vmem>> -> memref<1x32x128xf32, #tpu.memory_space<vmem>>
      %dma_start3A_210 = tpu.memref_squeeze %dma_start3A_209 : memref<1x32x128xf32, #tpu.memory_space<vmem>> -> memref<32x128xf32, #tpu.memory_space<vmem>>
      %dma_start3A_211 = arith.constant 0 : i32
      %dma_start3A_212 = tpu.memref_slice %arg3[%dma_start3A_211, %multiple_of3A_199] : memref<32x1000000xf32, #tpu.memory_space<hbm>> -> memref<32x128xf32, #tpu.memory_space<hbm>>
      tpu.enqueue_dma source(%dma_start3A_212 : memref<32x128xf32, #tpu.memory_space<hbm>>) target(%dma_start3A_210 : memref<32x128xf32, #tpu.memory_space<vmem>>) target_semaphore(%arg8 : memref<!tpu.dma_semaphore, #tpu.memory_space<semaphore_mem>>)
      %slice3A_213 = vector.extract_strided_slice %shift_right_logical3A_16 {offsets = [11], sizes = [1], strides = [1]} : vector<16xi32> to vector<1xi32>
      %squeeze3A_214 = vector.extract %slice3A_213[0] : i32 from vector<1xi32>
      %mul3A_215 = arith.constant 128 : i32
      %mul3A_216 = arith.muli %squeeze3A_214, %mul3A_215 : i32
      %multiple_of3A_217 = tpu.assume_multiple %mul3A_216, 128 : i32
      %dma_start3A_218 = arith.constant 11 : i32
      %dma_start3A_219 = arith.constant 0 : i32
      %dma_start3A_220 = arith.constant 0 : i32
      %dma_start3A_221 = tpu.memref_slice %arg6[%dma_start3A_218, %dma_start3A_219, %dma_start3A_220] : memref<16x32x128xf32, #tpu.memory_space<vmem>> -> memref<1x32x128xf32, #tpu.memory_space<vmem>>
      %dma_start3A_222 = tpu.memref_squeeze %dma_start3A_221 : memref<1x32x128xf32, #tpu.memory_space<vmem>> -> memref<32x128xf32, #tpu.memory_space<vmem>>
      %dma_start3A_223 = arith.constant 0 : i32
      %dma_start3A_224 = tpu.memref_slice %arg3[%dma_start3A_223, %multiple_of3A_217] : memref<32x1000000xf32, #tpu.memory_space<hbm>> -> memref<32x128xf32, #tpu.memory_space<hbm>>
      %dma_start3A_225 = arith.constant 0 : i32
      %dma_start3A_226 = arith.constant 0 : i32
      %dma_start3A_227 = tpu.memref_slice %arg6[%dma_start3A_218, %dma_start3A_225, %dma_start3A_226] : memref<16x32x128xf32, #tpu.memory_space<vmem>> -> memref<1x32x128xf32, #tpu.memory_space<vmem>>
      %dma_start3A_228 = tpu.memref_squeeze %dma_start3A_227 : memref<1x32x128xf32, #tpu.memory_space<vmem>> -> memref<32x128xf32, #tpu.memory_space<vmem>>
      %dma_start3A_229 = arith.constant 0 : i32
      %dma_start3A_230 = tpu.memref_slice %arg3[%dma_start3A_229, %multiple_of3A_217] : memref<32x1000000xf32, #tpu.memory_space<hbm>> -> memref<32x128xf32, #tpu.memory_space<hbm>>
      tpu.enqueue_dma source(%dma_start3A_230 : memref<32x128xf32, #tpu.memory_space<hbm>>) target(%dma_start3A_228 : memref<32x128xf32, #tpu.memory_space<vmem>>) target_semaphore(%arg8 : memref<!tpu.dma_semaphore, #tpu.memory_space<semaphore_mem>>)
      %slice3A_231 = vector.extract_strided_slice %shift_right_logical3A_16 {offsets = [12], sizes = [1], strides = [1]} : vector<16xi32> to vector<1xi32>
      %squeeze3A_232 = vector.extract %slice3A_231[0] : i32 from vector<1xi32>
      %mul3A_233 = arith.constant 128 : i32
      %mul3A_234 = arith.muli %squeeze3A_232, %mul3A_233 : i32
      %multiple_of3A_235 = tpu.assume_multiple %mul3A_234, 128 : i32
      %dma_start3A_236 = arith.constant 12 : i32
      %dma_start3A_237 = arith.constant 0 : i32
      %dma_start3A_238 = arith.constant 0 : i32
      %dma_start3A_239 = tpu.memref_slice %arg6[%dma_start3A_236, %dma_start3A_237, %dma_start3A_238] : memref<16x32x128xf32, #tpu.memory_space<vmem>> -> memref<1x32x128xf32, #tpu.memory_space<vmem>>
      %dma_start3A_240 = tpu.memref_squeeze %dma_start3A_239 : memref<1x32x128xf32, #tpu.memory_space<vmem>> -> memref<32x128xf32, #tpu.memory_space<vmem>>
      %dma_start3A_241 = arith.constant 0 : i32
      %dma_start3A_242 = tpu.memref_slice %arg3[%dma_start3A_241, %multiple_of3A_235] : memref<32x1000000xf32, #tpu.memory_space<hbm>> -> memref<32x128xf32, #tpu.memory_space<hbm>>
      %dma_start3A_243 = arith.constant 0 : i32
      %dma_start3A_244 = arith.constant 0 : i32
      %dma_start3A_245 = tpu.memref_slice %arg6[%dma_start3A_236, %dma_start3A_243, %dma_start3A_244] : memref<16x32x128xf32, #tpu.memory_space<vmem>> -> memref<1x32x128xf32, #tpu.memory_space<vmem>>
      %dma_start3A_246 = tpu.memref_squeeze %dma_start3A_245 : memref<1x32x128xf32, #tpu.memory_space<vmem>> -> memref<32x128xf32, #tpu.memory_space<vmem>>
      %dma_start3A_247 = arith.constant 0 : i32
      %dma_start3A_248 = tpu.memref_slice %arg3[%dma_start3A_247, %multiple_of3A_235] : memref<32x1000000xf32, #tpu.memory_space<hbm>> -> memref<32x128xf32, #tpu.memory_space<hbm>>
      tpu.enqueue_dma source(%dma_start3A_248 : memref<32x128xf32, #tpu.memory_space<hbm>>) target(%dma_start3A_246 : memref<32x128xf32, #tpu.memory_space<vmem>>) target_semaphore(%arg8 : memref<!tpu.dma_semaphore, #tpu.memory_space<semaphore_mem>>)
      %slice3A_249 = vector.extract_strided_slice %shift_right_logical3A_16 {offsets = [13], sizes = [1], strides = [1]} : vector<16xi32> to vector<1xi32>
      %squeeze3A_250 = vector.extract %slice3A_249[0] : i32 from vector<1xi32>
      %mul3A_251 = arith.constant 128 : i32
      %mul3A_252 = arith.muli %squeeze3A_250, %mul3A_251 : i32
      %multiple_of3A_253 = tpu.assume_multiple %mul3A_252, 128 : i32
      %dma_start3A_254 = arith.constant 13 : i32
      %dma_start3A_255 = arith.constant 0 : i32
      %dma_start3A_256 = arith.constant 0 : i32
      %dma_start3A_257 = tpu.memref_slice %arg6[%dma_start3A_254, %dma_start3A_255, %dma_start3A_256] : memref<16x32x128xf32, #tpu.memory_space<vmem>> -> memref<1x32x128xf32, #tpu.memory_space<vmem>>
      %dma_start3A_258 = tpu.memref_squeeze %dma_start3A_257 : memref<1x32x128xf32, #tpu.memory_space<vmem>> -> memref<32x128xf32, #tpu.memory_space<vmem>>
      %dma_start3A_259 = arith.constant 0 : i32
      %dma_start3A_260 = tpu.memref_slice %arg3[%dma_start3A_259, %multiple_of3A_253] : memref<32x1000000xf32, #tpu.memory_space<hbm>> -> memref<32x128xf32, #tpu.memory_space<hbm>>
      %dma_start3A_261 = arith.constant 0 : i32
      %dma_start3A_262 = arith.constant 0 : i32
      %dma_start3A_263 = tpu.memref_slice %arg6[%dma_start3A_254, %dma_start3A_261, %dma_start3A_262] : memref<16x32x128xf32, #tpu.memory_space<vmem>> -> memref<1x32x128xf32, #tpu.memory_space<vmem>>
      %dma_start3A_264 = tpu.memref_squeeze %dma_start3A_263 : memref<1x32x128xf32, #tpu.memory_space<vmem>> -> memref<32x128xf32, #tpu.memory_space<vmem>>
      %dma_start3A_265 = arith.constant 0 : i32
      %dma_start3A_266 = tpu.memref_slice %arg3[%dma_start3A_265, %multiple_of3A_253] : memref<32x1000000xf32, #tpu.memory_space<hbm>> -> memref<32x128xf32, #tpu.memory_space<hbm>>
      tpu.enqueue_dma source(%dma_start3A_266 : memref<32x128xf32, #tpu.memory_space<hbm>>) target(%dma_start3A_264 : memref<32x128xf32, #tpu.memory_space<vmem>>) target_semaphore(%arg8 : memref<!tpu.dma_semaphore, #tpu.memory_space<semaphore_mem>>)
      %slice3A_267 = vector.extract_strided_slice %shift_right_logical3A_16 {offsets = [14], sizes = [1], strides = [1]} : vector<16xi32> to vector<1xi32>
      %squeeze3A_268 = vector.extract %slice3A_267[0] : i32 from vector<1xi32>
      %mul3A_269 = arith.constant 128 : i32
      %mul3A_270 = arith.muli %squeeze3A_268, %mul3A_269 : i32
      %multiple_of3A_271 = tpu.assume_multiple %mul3A_270, 128 : i32
      %dma_start3A_272 = arith.constant 14 : i32
      %dma_start3A_273 = arith.constant 0 : i32
      %dma_start3A_274 = arith.constant 0 : i32
      %dma_start3A_275 = tpu.memref_slice %arg6[%dma_start3A_272, %dma_start3A_273, %dma_start3A_274] : memref<16x32x128xf32, #tpu.memory_space<vmem>> -> memref<1x32x128xf32, #tpu.memory_space<vmem>>
      %dma_start3A_276 = tpu.memref_squeeze %dma_start3A_275 : memref<1x32x128xf32, #tpu.memory_space<vmem>> -> memref<32x128xf32, #tpu.memory_space<vmem>>
      %dma_start3A_277 = arith.constant 0 : i32
      %dma_start3A_278 = tpu.memref_slice %arg3[%dma_start3A_277, %multiple_of3A_271] : memref<32x1000000xf32, #tpu.memory_space<hbm>> -> memref<32x128xf32, #tpu.memory_space<hbm>>
      %dma_start3A_279 = arith.constant 0 : i32
      %dma_start3A_280 = arith.constant 0 : i32
      %dma_start3A_281 = tpu.memref_slice %arg6[%dma_start3A_272, %dma_start3A_279, %dma_start3A_280] : memref<16x32x128xf32, #tpu.memory_space<vmem>> -> memref<1x32x128xf32, #tpu.memory_space<vmem>>
      %dma_start3A_282 = tpu.memref_squeeze %dma_start3A_281 : memref<1x32x128xf32, #tpu.memory_space<vmem>> -> memref<32x128xf32, #tpu.memory_space<vmem>>
      %dma_start3A_283 = arith.constant 0 : i32
      %dma_start3A_284 = tpu.memref_slice %arg3[%dma_start3A_283, %multiple_of3A_271] : memref<32x1000000xf32, #tpu.memory_space<hbm>> -> memref<32x128xf32, #tpu.memory_space<hbm>>
      tpu.enqueue_dma source(%dma_start3A_284 : memref<32x128xf32, #tpu.memory_space<hbm>>) target(%dma_start3A_282 : memref<32x128xf32, #tpu.memory_space<vmem>>) target_semaphore(%arg8 : memref<!tpu.dma_semaphore, #tpu.memory_space<semaphore_mem>>)
      %slice3A_285 = vector.extract_strided_slice %shift_right_logical3A_16 {offsets = [15], sizes = [1], strides = [1]} : vector<16xi32> to vector<1xi32>
      %squeeze3A_286 = vector.extract %slice3A_285[0] : i32 from vector<1xi32>
      %mul3A_287 = arith.constant 128 : i32
      %mul3A_288 = arith.muli %squeeze3A_286, %mul3A_287 : i32
      %multiple_of3A_289 = tpu.assume_multiple %mul3A_288, 128 : i32
      %dma_start3A_290 = arith.constant 15 : i32
      %dma_start3A_291 = arith.constant 0 : i32
      %dma_start3A_292 = arith.constant 0 : i32
      %dma_start3A_293 = tpu.memref_slice %arg6[%dma_start3A_290, %dma_start3A_291, %dma_start3A_292] : memref<16x32x128xf32, #tpu.memory_space<vmem>> -> memref<1x32x128xf32, #tpu.memory_space<vmem>>
      %dma_start3A_294 = tpu.memref_squeeze %dma_start3A_293 : memref<1x32x128xf32, #tpu.memory_space<vmem>> -> memref<32x128xf32, #tpu.memory_space<vmem>>
      %dma_start3A_295 = arith.constant 0 : i32
      %dma_start3A_296 = tpu.memref_slice %arg3[%dma_start3A_295, %multiple_of3A_289] : memref<32x1000000xf32, #tpu.memory_space<hbm>> -> memref<32x128xf32, #tpu.memory_space<hbm>>
      %dma_start3A_297 = arith.constant 0 : i32
      %dma_start3A_298 = arith.constant 0 : i32
      %dma_start3A_299 = tpu.memref_slice %arg6[%dma_start3A_290, %dma_start3A_297, %dma_start3A_298] : memref<16x32x128xf32, #tpu.memory_space<vmem>> -> memref<1x32x128xf32, #tpu.memory_space<vmem>>
      %dma_start3A_300 = tpu.memref_squeeze %dma_start3A_299 : memref<1x32x128xf32, #tpu.memory_space<vmem>> -> memref<32x128xf32, #tpu.memory_space<vmem>>
      %dma_start3A_301 = arith.constant 0 : i32
      %dma_start3A_302 = tpu.memref_slice %arg3[%dma_start3A_301, %multiple_of3A_289] : memref<32x1000000xf32, #tpu.memory_space<hbm>> -> memref<32x128xf32, #tpu.memory_space<hbm>>
      tpu.enqueue_dma source(%dma_start3A_302 : memref<32x128xf32, #tpu.memory_space<hbm>>) target(%dma_start3A_300 : memref<32x128xf32, #tpu.memory_space<vmem>>) target_semaphore(%arg8 : memref<!tpu.dma_semaphore, #tpu.memory_space<semaphore_mem>>)
      %dma_wait3A = arith.constant 0 : i32
      %dma_wait3A_303 = arith.constant 0 : i32
      %dma_wait3A_304 = arith.constant 0 : i32
      %dma_wait3A_305 = tpu.memref_slice %arg6[%dma_wait3A, %dma_wait3A_303, %dma_wait3A_304] : memref<16x32x128xf32, #tpu.memory_space<vmem>> -> memref<1x32x128xf32, #tpu.memory_space<vmem>>
      %dma_wait3A_306 = tpu.memref_squeeze %dma_wait3A_305 : memref<1x32x128xf32, #tpu.memory_space<vmem>> -> memref<32x128xf32, #tpu.memory_space<vmem>>
      %dma_wait3A_307 = arith.constant 0 : i32
      %dma_wait3A_308 = arith.constant 0 : i32
      %dma_wait3A_309 = tpu.memref_slice %arg3[%dma_wait3A_307, %dma_wait3A_308] : memref<32x1000000xf32, #tpu.memory_space<hbm>> -> memref<32x128xf32, #tpu.memory_space<hbm>>
      %dma_wait3A_310 = arith.constant 0 : i32
      %dma_wait3A_311 = arith.constant 0 : i32
      %dma_wait3A_312 = tpu.memref_slice %arg6[%dma_wait3A, %dma_wait3A_310, %dma_wait3A_311] : memref<16x32x128xf32, #tpu.memory_space<vmem>> -> memref<1x32x128xf32, #tpu.memory_space<vmem>>
      %dma_wait3A_313 = tpu.memref_squeeze %dma_wait3A_312 : memref<1x32x128xf32, #tpu.memory_space<vmem>> -> memref<32x128xf32, #tpu.memory_space<vmem>>
      %dma_wait3A_314 = arith.constant 0 : i32
      %dma_wait3A_315 = arith.constant 0 : i32
      %dma_wait3A_316 = tpu.memref_slice %arg3[%dma_wait3A_314, %dma_wait3A_315] : memref<32x1000000xf32, #tpu.memory_space<hbm>> -> memref<32x128xf32, #tpu.memory_space<hbm>>
      tpu.wait_dma2 semaphore(%arg8 : memref<!tpu.dma_semaphore, #tpu.memory_space<semaphore_mem>>) src(%dma_wait3A_316 : memref<32x128xf32, #tpu.memory_space<hbm>>) dst(%dma_wait3A_313 : memref<32x128xf32, #tpu.memory_space<vmem>>)
      %dma_wait3A_317 = arith.constant 1 : i32
      %dma_wait3A_318 = arith.constant 0 : i32
      %dma_wait3A_319 = arith.constant 0 : i32
      %dma_wait3A_320 = tpu.memref_slice %arg6[%dma_wait3A_317, %dma_wait3A_318, %dma_wait3A_319] : memref<16x32x128xf32, #tpu.memory_space<vmem>> -> memref<1x32x128xf32, #tpu.memory_space<vmem>>
      %dma_wait3A_321 = tpu.memref_squeeze %dma_wait3A_320 : memref<1x32x128xf32, #tpu.memory_space<vmem>> -> memref<32x128xf32, #tpu.memory_space<vmem>>
      %dma_wait3A_322 = arith.constant 0 : i32
      %dma_wait3A_323 = arith.constant 0 : i32
      %dma_wait3A_324 = tpu.memref_slice %arg3[%dma_wait3A_322, %dma_wait3A_323] : memref<32x1000000xf32, #tpu.memory_space<hbm>> -> memref<32x128xf32, #tpu.memory_space<hbm>>
      %dma_wait3A_325 = arith.constant 0 : i32
      %dma_wait3A_326 = arith.constant 0 : i32
      %dma_wait3A_327 = tpu.memref_slice %arg6[%dma_wait3A_317, %dma_wait3A_325, %dma_wait3A_326] : memref<16x32x128xf32, #tpu.memory_space<vmem>> -> memref<1x32x128xf32, #tpu.memory_space<vmem>>
      %dma_wait3A_328 = tpu.memref_squeeze %dma_wait3A_327 : memref<1x32x128xf32, #tpu.memory_space<vmem>> -> memref<32x128xf32, #tpu.memory_space<vmem>>
      %dma_wait3A_329 = arith.constant 0 : i32
      %dma_wait3A_330 = arith.constant 0 : i32
      %dma_wait3A_331 = tpu.memref_slice %arg3[%dma_wait3A_329, %dma_wait3A_330] : memref<32x1000000xf32, #tpu.memory_space<hbm>> -> memref<32x128xf32, #tpu.memory_space<hbm>>
      tpu.wait_dma2 semaphore(%arg8 : memref<!tpu.dma_semaphore, #tpu.memory_space<semaphore_mem>>) src(%dma_wait3A_331 : memref<32x128xf32, #tpu.memory_space<hbm>>) dst(%dma_wait3A_328 : memref<32x128xf32, #tpu.memory_space<vmem>>)
      %dma_wait3A_332 = arith.constant 2 : i32
      %dma_wait3A_333 = arith.constant 0 : i32
      %dma_wait3A_334 = arith.constant 0 : i32
      %dma_wait3A_335 = tpu.memref_slice %arg6[%dma_wait3A_332, %dma_wait3A_333, %dma_wait3A_334] : memref<16x32x128xf32, #tpu.memory_space<vmem>> -> memref<1x32x128xf32, #tpu.memory_space<vmem>>
      %dma_wait3A_336 = tpu.memref_squeeze %dma_wait3A_335 : memref<1x32x128xf32, #tpu.memory_space<vmem>> -> memref<32x128xf32, #tpu.memory_space<vmem>>
      %dma_wait3A_337 = arith.constant 0 : i32
      %dma_wait3A_338 = arith.constant 0 : i32
      %dma_wait3A_339 = tpu.memref_slice %arg3[%dma_wait3A_337, %dma_wait3A_338] : memref<32x1000000xf32, #tpu.memory_space<hbm>> -> memref<32x128xf32, #tpu.memory_space<hbm>>
      %dma_wait3A_340 = arith.constant 0 : i32
      %dma_wait3A_341 = arith.constant 0 : i32
      %dma_wait3A_342 = tpu.memref_slice %arg6[%dma_wait3A_332, %dma_wait3A_340, %dma_wait3A_341] : memref<16x32x128xf32, #tpu.memory_space<vmem>> -> memref<1x32x128xf32, #tpu.memory_space<vmem>>
      %dma_wait3A_343 = tpu.memref_squeeze %dma_wait3A_342 : memref<1x32x128xf32, #tpu.memory_space<vmem>> -> memref<32x128xf32, #tpu.memory_space<vmem>>
      %dma_wait3A_344 = arith.constant 0 : i32
      %dma_wait3A_345 = arith.constant 0 : i32
      %dma_wait3A_346 = tpu.memref_slice %arg3[%dma_wait3A_344, %dma_wait3A_345] : memref<32x1000000xf32, #tpu.memory_space<hbm>> -> memref<32x128xf32, #tpu.memory_space<hbm>>
      tpu.wait_dma2 semaphore(%arg8 : memref<!tpu.dma_semaphore, #tpu.memory_space<semaphore_mem>>) src(%dma_wait3A_346 : memref<32x128xf32, #tpu.memory_space<hbm>>) dst(%dma_wait3A_343 : memref<32x128xf32, #tpu.memory_space<vmem>>)
      %dma_wait3A_347 = arith.constant 3 : i32
      %dma_wait3A_348 = arith.constant 0 : i32
      %dma_wait3A_349 = arith.constant 0 : i32
      %dma_wait3A_350 = tpu.memref_slice %arg6[%dma_wait3A_347, %dma_wait3A_348, %dma_wait3A_349] : memref<16x32x128xf32, #tpu.memory_space<vmem>> -> memref<1x32x128xf32, #tpu.memory_space<vmem>>
      %dma_wait3A_351 = tpu.memref_squeeze %dma_wait3A_350 : memref<1x32x128xf32, #tpu.memory_space<vmem>> -> memref<32x128xf32, #tpu.memory_space<vmem>>
      %dma_wait3A_352 = arith.constant 0 : i32
      %dma_wait3A_353 = arith.constant 0 : i32
      %dma_wait3A_354 = tpu.memref_slice %arg3[%dma_wait3A_352, %dma_wait3A_353] : memref<32x1000000xf32, #tpu.memory_space<hbm>> -> memref<32x128xf32, #tpu.memory_space<hbm>>
      %dma_wait3A_355 = arith.constant 0 : i32
      %dma_wait3A_356 = arith.constant 0 : i32
      %dma_wait3A_357 = tpu.memref_slice %arg6[%dma_wait3A_347, %dma_wait3A_355, %dma_wait3A_356] : memref<16x32x128xf32, #tpu.memory_space<vmem>> -> memref<1x32x128xf32, #tpu.memory_space<vmem>>
      %dma_wait3A_358 = tpu.memref_squeeze %dma_wait3A_357 : memref<1x32x128xf32, #tpu.memory_space<vmem>> -> memref<32x128xf32, #tpu.memory_space<vmem>>
      %dma_wait3A_359 = arith.constant 0 : i32
      %dma_wait3A_360 = arith.constant 0 : i32
      %dma_wait3A_361 = tpu.memref_slice %arg3[%dma_wait3A_359, %dma_wait3A_360] : memref<32x1000000xf32, #tpu.memory_space<hbm>> -> memref<32x128xf32, #tpu.memory_space<hbm>>
      tpu.wait_dma2 semaphore(%arg8 : memref<!tpu.dma_semaphore, #tpu.memory_space<semaphore_mem>>) src(%dma_wait3A_361 : memref<32x128xf32, #tpu.memory_space<hbm>>) dst(%dma_wait3A_358 : memref<32x128xf32, #tpu.memory_space<vmem>>)
      %dma_wait3A_362 = arith.constant 4 : i32
      %dma_wait3A_363 = arith.constant 0 : i32
      %dma_wait3A_364 = arith.constant 0 : i32
      %dma_wait3A_365 = tpu.memref_slice %arg6[%dma_wait3A_362, %dma_wait3A_363, %dma_wait3A_364] : memref<16x32x128xf32, #tpu.memory_space<vmem>> -> memref<1x32x128xf32, #tpu.memory_space<vmem>>
      %dma_wait3A_366 = tpu.memref_squeeze %dma_wait3A_365 : memref<1x32x128xf32, #tpu.memory_space<vmem>> -> memref<32x128xf32, #tpu.memory_space<vmem>>
      %dma_wait3A_367 = arith.constant 0 : i32
      %dma_wait3A_368 = arith.constant 0 : i32
      %dma_wait3A_369 = tpu.memref_slice %arg3[%dma_wait3A_367, %dma_wait3A_368] : memref<32x1000000xf32, #tpu.memory_space<hbm>> -> memref<32x128xf32, #tpu.memory_space<hbm>>
      %dma_wait3A_370 = arith.constant 0 : i32
      %dma_wait3A_371 = arith.constant 0 : i32
      %dma_wait3A_372 = tpu.memref_slice %arg6[%dma_wait3A_362, %dma_wait3A_370, %dma_wait3A_371] : memref<16x32x128xf32, #tpu.memory_space<vmem>> -> memref<1x32x128xf32, #tpu.memory_space<vmem>>
      %dma_wait3A_373 = tpu.memref_squeeze %dma_wait3A_372 : memref<1x32x128xf32, #tpu.memory_space<vmem>> -> memref<32x128xf32, #tpu.memory_space<vmem>>
      %dma_wait3A_374 = arith.constant 0 : i32
      %dma_wait3A_375 = arith.constant 0 : i32
      %dma_wait3A_376 = tpu.memref_slice %arg3[%dma_wait3A_374, %dma_wait3A_375] : memref<32x1000000xf32, #tpu.memory_space<hbm>> -> memref<32x128xf32, #tpu.memory_space<hbm>>
      tpu.wait_dma2 semaphore(%arg8 : memref<!tpu.dma_semaphore, #tpu.memory_space<semaphore_mem>>) src(%dma_wait3A_376 : memref<32x128xf32, #tpu.memory_space<hbm>>) dst(%dma_wait3A_373 : memref<32x128xf32, #tpu.memory_space<vmem>>)
      %dma_wait3A_377 = arith.constant 5 : i32
      %dma_wait3A_378 = arith.constant 0 : i32
      %dma_wait3A_379 = arith.constant 0 : i32
      %dma_wait3A_380 = tpu.memref_slice %arg6[%dma_wait3A_377, %dma_wait3A_378, %dma_wait3A_379] : memref<16x32x128xf32, #tpu.memory_space<vmem>> -> memref<1x32x128xf32, #tpu.memory_space<vmem>>
      %dma_wait3A_381 = tpu.memref_squeeze %dma_wait3A_380 : memref<1x32x128xf32, #tpu.memory_space<vmem>> -> memref<32x128xf32, #tpu.memory_space<vmem>>
      %dma_wait3A_382 = arith.constant 0 : i32
      %dma_wait3A_383 = arith.constant 0 : i32
      %dma_wait3A_384 = tpu.memref_slice %arg3[%dma_wait3A_382, %dma_wait3A_383] : memref<32x1000000xf32, #tpu.memory_space<hbm>> -> memref<32x128xf32, #tpu.memory_space<hbm>>
      %dma_wait3A_385 = arith.constant 0 : i32
      %dma_wait3A_386 = arith.constant 0 : i32
      %dma_wait3A_387 = tpu.memref_slice %arg6[%dma_wait3A_377, %dma_wait3A_385, %dma_wait3A_386] : memref<16x32x128xf32, #tpu.memory_space<vmem>> -> memref<1x32x128xf32, #tpu.memory_space<vmem>>
      %dma_wait3A_388 = tpu.memref_squeeze %dma_wait3A_387 : memref<1x32x128xf32, #tpu.memory_space<vmem>> -> memref<32x128xf32, #tpu.memory_space<vmem>>
      %dma_wait3A_389 = arith.constant 0 : i32
      %dma_wait3A_390 = arith.constant 0 : i32
      %dma_wait3A_391 = tpu.memref_slice %arg3[%dma_wait3A_389, %dma_wait3A_390] : memref<32x1000000xf32, #tpu.memory_space<hbm>> -> memref<32x128xf32, #tpu.memory_space<hbm>>
      tpu.wait_dma2 semaphore(%arg8 : memref<!tpu.dma_semaphore, #tpu.memory_space<semaphore_mem>>) src(%dma_wait3A_391 : memref<32x128xf32, #tpu.memory_space<hbm>>) dst(%dma_wait3A_388 : memref<32x128xf32, #tpu.memory_space<vmem>>)
      %dma_wait3A_392 = arith.constant 6 : i32
      %dma_wait3A_393 = arith.constant 0 : i32
      %dma_wait3A_394 = arith.constant 0 : i32
      %dma_wait3A_395 = tpu.memref_slice %arg6[%dma_wait3A_392, %dma_wait3A_393, %dma_wait3A_394] : memref<16x32x128xf32, #tpu.memory_space<vmem>> -> memref<1x32x128xf32, #tpu.memory_space<vmem>>
      %dma_wait3A_396 = tpu.memref_squeeze %dma_wait3A_395 : memref<1x32x128xf32, #tpu.memory_space<vmem>> -> memref<32x128xf32, #tpu.memory_space<vmem>>
      %dma_wait3A_397 = arith.constant 0 : i32
      %dma_wait3A_398 = arith.constant 0 : i32
      %dma_wait3A_399 = tpu.memref_slice %arg3[%dma_wait3A_397, %dma_wait3A_398] : memref<32x1000000xf32, #tpu.memory_space<hbm>> -> memref<32x128xf32, #tpu.memory_space<hbm>>
      %dma_wait3A_400 = arith.constant 0 : i32
      %dma_wait3A_401 = arith.constant 0 : i32
      %dma_wait3A_402 = tpu.memref_slice %arg6[%dma_wait3A_392, %dma_wait3A_400, %dma_wait3A_401] : memref<16x32x128xf32, #tpu.memory_space<vmem>> -> memref<1x32x128xf32, #tpu.memory_space<vmem>>
      %dma_wait3A_403 = tpu.memref_squeeze %dma_wait3A_402 : memref<1x32x128xf32, #tpu.memory_space<vmem>> -> memref<32x128xf32, #tpu.memory_space<vmem>>
      %dma_wait3A_404 = arith.constant 0 : i32
      %dma_wait3A_405 = arith.constant 0 : i32
      %dma_wait3A_406 = tpu.memref_slice %arg3[%dma_wait3A_404, %dma_wait3A_405] : memref<32x1000000xf32, #tpu.memory_space<hbm>> -> memref<32x128xf32, #tpu.memory_space<hbm>>
      tpu.wait_dma2 semaphore(%arg8 : memref<!tpu.dma_semaphore, #tpu.memory_space<semaphore_mem>>) src(%dma_wait3A_406 : memref<32x128xf32, #tpu.memory_space<hbm>>) dst(%dma_wait3A_403 : memref<32x128xf32, #tpu.memory_space<vmem>>)
      %dma_wait3A_407 = arith.constant 7 : i32
      %dma_wait3A_408 = arith.constant 0 : i32
      %dma_wait3A_409 = arith.constant 0 : i32
      %dma_wait3A_410 = tpu.memref_slice %arg6[%dma_wait3A_407, %dma_wait3A_408, %dma_wait3A_409] : memref<16x32x128xf32, #tpu.memory_space<vmem>> -> memref<1x32x128xf32, #tpu.memory_space<vmem>>
      %dma_wait3A_411 = tpu.memref_squeeze %dma_wait3A_410 : memref<1x32x128xf32, #tpu.memory_space<vmem>> -> memref<32x128xf32, #tpu.memory_space<vmem>>
      %dma_wait3A_412 = arith.constant 0 : i32
      %dma_wait3A_413 = arith.constant 0 : i32
      %dma_wait3A_414 = tpu.memref_slice %arg3[%dma_wait3A_412, %dma_wait3A_413] : memref<32x1000000xf32, #tpu.memory_space<hbm>> -> memref<32x128xf32, #tpu.memory_space<hbm>>
      %dma_wait3A_415 = arith.constant 0 : i32
      %dma_wait3A_416 = arith.constant 0 : i32
      %dma_wait3A_417 = tpu.memref_slice %arg6[%dma_wait3A_407, %dma_wait3A_415, %dma_wait3A_416] : memref<16x32x128xf32, #tpu.memory_space<vmem>> -> memref<1x32x128xf32, #tpu.memory_space<vmem>>
      %dma_wait3A_418 = tpu.memref_squeeze %dma_wait3A_417 : memref<1x32x128xf32, #tpu.memory_space<vmem>> -> memref<32x128xf32, #tpu.memory_space<vmem>>
      %dma_wait3A_419 = arith.constant 0 : i32
      %dma_wait3A_420 = arith.constant 0 : i32
      %dma_wait3A_421 = tpu.memref_slice %arg3[%dma_wait3A_419, %dma_wait3A_420] : memref<32x1000000xf32, #tpu.memory_space<hbm>> -> memref<32x128xf32, #tpu.memory_space<hbm>>
      tpu.wait_dma2 semaphore(%arg8 : memref<!tpu.dma_semaphore, #tpu.memory_space<semaphore_mem>>) src(%dma_wait3A_421 : memref<32x128xf32, #tpu.memory_space<hbm>>) dst(%dma_wait3A_418 : memref<32x128xf32, #tpu.memory_space<vmem>>)
      %dma_wait3A_422 = arith.constant 8 : i32
      %dma_wait3A_423 = arith.constant 0 : i32
      %dma_wait3A_424 = arith.constant 0 : i32
      %dma_wait3A_425 = tpu.memref_slice %arg6[%dma_wait3A_422, %dma_wait3A_423, %dma_wait3A_424] : memref<16x32x128xf32, #tpu.memory_space<vmem>> -> memref<1x32x128xf32, #tpu.memory_space<vmem>>
      %dma_wait3A_426 = tpu.memref_squeeze %dma_wait3A_425 : memref<1x32x128xf32, #tpu.memory_space<vmem>> -> memref<32x128xf32, #tpu.memory_space<vmem>>
      %dma_wait3A_427 = arith.constant 0 : i32
      %dma_wait3A_428 = arith.constant 0 : i32
      %dma_wait3A_429 = tpu.memref_slice %arg3[%dma_wait3A_427, %dma_wait3A_428] : memref<32x1000000xf32, #tpu.memory_space<hbm>> -> memref<32x128xf32, #tpu.memory_space<hbm>>
      %dma_wait3A_430 = arith.constant 0 : i32
      %dma_wait3A_431 = arith.constant 0 : i32
      %dma_wait3A_432 = tpu.memref_slice %arg6[%dma_wait3A_422, %dma_wait3A_430, %dma_wait3A_431] : memref<16x32x128xf32, #tpu.memory_space<vmem>> -> memref<1x32x128xf32, #tpu.memory_space<vmem>>
      %dma_wait3A_433 = tpu.memref_squeeze %dma_wait3A_432 : memref<1x32x128xf32, #tpu.memory_space<vmem>> -> memref<32x128xf32, #tpu.memory_space<vmem>>
      %dma_wait3A_434 = arith.constant 0 : i32
      %dma_wait3A_435 = arith.constant 0 : i32
      %dma_wait3A_436 = tpu.memref_slice %arg3[%dma_wait3A_434, %dma_wait3A_435] : memref<32x1000000xf32, #tpu.memory_space<hbm>> -> memref<32x128xf32, #tpu.memory_space<hbm>>
      tpu.wait_dma2 semaphore(%arg8 : memref<!tpu.dma_semaphore, #tpu.memory_space<semaphore_mem>>) src(%dma_wait3A_436 : memref<32x128xf32, #tpu.memory_space<hbm>>) dst(%dma_wait3A_433 : memref<32x128xf32, #tpu.memory_space<vmem>>)
      %dma_wait3A_437 = arith.constant 9 : i32
      %dma_wait3A_438 = arith.constant 0 : i32
      %dma_wait3A_439 = arith.constant 0 : i32
      %dma_wait3A_440 = tpu.memref_slice %arg6[%dma_wait3A_437, %dma_wait3A_438, %dma_wait3A_439] : memref<16x32x128xf32, #tpu.memory_space<vmem>> -> memref<1x32x128xf32, #tpu.memory_space<vmem>>
      %dma_wait3A_441 = tpu.memref_squeeze %dma_wait3A_440 : memref<1x32x128xf32, #tpu.memory_space<vmem>> -> memref<32x128xf32, #tpu.memory_space<vmem>>
      %dma_wait3A_442 = arith.constant 0 : i32
      %dma_wait3A_443 = arith.constant 0 : i32
      %dma_wait3A_444 = tpu.memref_slice %arg3[%dma_wait3A_442, %dma_wait3A_443] : memref<32x1000000xf32, #tpu.memory_space<hbm>> -> memref<32x128xf32, #tpu.memory_space<hbm>>
      %dma_wait3A_445 = arith.constant 0 : i32
      %dma_wait3A_446 = arith.constant 0 : i32
      %dma_wait3A_447 = tpu.memref_slice %arg6[%dma_wait3A_437, %dma_wait3A_445, %dma_wait3A_446] : memref<16x32x128xf32, #tpu.memory_space<vmem>> -> memref<1x32x128xf32, #tpu.memory_space<vmem>>
      %dma_wait3A_448 = tpu.memref_squeeze %dma_wait3A_447 : memref<1x32x128xf32, #tpu.memory_space<vmem>> -> memref<32x128xf32, #tpu.memory_space<vmem>>
      %dma_wait3A_449 = arith.constant 0 : i32
      %dma_wait3A_450 = arith.constant 0 : i32
      %dma_wait3A_451 = tpu.memref_slice %arg3[%dma_wait3A_449, %dma_wait3A_450] : memref<32x1000000xf32, #tpu.memory_space<hbm>> -> memref<32x128xf32, #tpu.memory_space<hbm>>
      tpu.wait_dma2 semaphore(%arg8 : memref<!tpu.dma_semaphore, #tpu.memory_space<semaphore_mem>>) src(%dma_wait3A_451 : memref<32x128xf32, #tpu.memory_space<hbm>>) dst(%dma_wait3A_448 : memref<32x128xf32, #tpu.memory_space<vmem>>)
      %dma_wait3A_452 = arith.constant 10 : i32
      %dma_wait3A_453 = arith.constant 0 : i32
      %dma_wait3A_454 = arith.constant 0 : i32
      %dma_wait3A_455 = tpu.memref_slice %arg6[%dma_wait3A_452, %dma_wait3A_453, %dma_wait3A_454] : memref<16x32x128xf32, #tpu.memory_space<vmem>> -> memref<1x32x128xf32, #tpu.memory_space<vmem>>
      %dma_wait3A_456 = tpu.memref_squeeze %dma_wait3A_455 : memref<1x32x128xf32, #tpu.memory_space<vmem>> -> memref<32x128xf32, #tpu.memory_space<vmem>>
      %dma_wait3A_457 = arith.constant 0 : i32
      %dma_wait3A_458 = arith.constant 0 : i32
      %dma_wait3A_459 = tpu.memref_slice %arg3[%dma_wait3A_457, %dma_wait3A_458] : memref<32x1000000xf32, #tpu.memory_space<hbm>> -> memref<32x128xf32, #tpu.memory_space<hbm>>
      %dma_wait3A_460 = arith.constant 0 : i32
      %dma_wait3A_461 = arith.constant 0 : i32
      %dma_wait3A_462 = tpu.memref_slice %arg6[%dma_wait3A_452, %dma_wait3A_460, %dma_wait3A_461] : memref<16x32x128xf32, #tpu.memory_space<vmem>> -> memref<1x32x128xf32, #tpu.memory_space<vmem>>
      %dma_wait3A_463 = tpu.memref_squeeze %dma_wait3A_462 : memref<1x32x128xf32, #tpu.memory_space<vmem>> -> memref<32x128xf32, #tpu.memory_space<vmem>>
      %dma_wait3A_464 = arith.constant 0 : i32
      %dma_wait3A_465 = arith.constant 0 : i32
      %dma_wait3A_466 = tpu.memref_slice %arg3[%dma_wait3A_464, %dma_wait3A_465] : memref<32x1000000xf32, #tpu.memory_space<hbm>> -> memref<32x128xf32, #tpu.memory_space<hbm>>
      tpu.wait_dma2 semaphore(%arg8 : memref<!tpu.dma_semaphore, #tpu.memory_space<semaphore_mem>>) src(%dma_wait3A_466 : memref<32x128xf32, #tpu.memory_space<hbm>>) dst(%dma_wait3A_463 : memref<32x128xf32, #tpu.memory_space<vmem>>)
      %dma_wait3A_467 = arith.constant 11 : i32
      %dma_wait3A_468 = arith.constant 0 : i32
      %dma_wait3A_469 = arith.constant 0 : i32
      %dma_wait3A_470 = tpu.memref_slice %arg6[%dma_wait3A_467, %dma_wait3A_468, %dma_wait3A_469] : memref<16x32x128xf32, #tpu.memory_space<vmem>> -> memref<1x32x128xf32, #tpu.memory_space<vmem>>
      %dma_wait3A_471 = tpu.memref_squeeze %dma_wait3A_470 : memref<1x32x128xf32, #tpu.memory_space<vmem>> -> memref<32x128xf32, #tpu.memory_space<vmem>>
      %dma_wait3A_472 = arith.constant 0 : i32
      %dma_wait3A_473 = arith.constant 0 : i32
      %dma_wait3A_474 = tpu.memref_slice %arg3[%dma_wait3A_472, %dma_wait3A_473] : memref<32x1000000xf32, #tpu.memory_space<hbm>> -> memref<32x128xf32, #tpu.memory_space<hbm>>
      %dma_wait3A_475 = arith.constant 0 : i32
      %dma_wait3A_476 = arith.constant 0 : i32
      %dma_wait3A_477 = tpu.memref_slice %arg6[%dma_wait3A_467, %dma_wait3A_475, %dma_wait3A_476] : memref<16x32x128xf32, #tpu.memory_space<vmem>> -> memref<1x32x128xf32, #tpu.memory_space<vmem>>
      %dma_wait3A_478 = tpu.memref_squeeze %dma_wait3A_477 : memref<1x32x128xf32, #tpu.memory_space<vmem>> -> memref<32x128xf32, #tpu.memory_space<vmem>>
      %dma_wait3A_479 = arith.constant 0 : i32
      %dma_wait3A_480 = arith.constant 0 : i32
      %dma_wait3A_481 = tpu.memref_slice %arg3[%dma_wait3A_479, %dma_wait3A_480] : memref<32x1000000xf32, #tpu.memory_space<hbm>> -> memref<32x128xf32, #tpu.memory_space<hbm>>
      tpu.wait_dma2 semaphore(%arg8 : memref<!tpu.dma_semaphore, #tpu.memory_space<semaphore_mem>>) src(%dma_wait3A_481 : memref<32x128xf32, #tpu.memory_space<hbm>>) dst(%dma_wait3A_478 : memref<32x128xf32, #tpu.memory_space<vmem>>)
      %dma_wait3A_482 = arith.constant 12 : i32
      %dma_wait3A_483 = arith.constant 0 : i32
      %dma_wait3A_484 = arith.constant 0 : i32
      %dma_wait3A_485 = tpu.memref_slice %arg6[%dma_wait3A_482, %dma_wait3A_483, %dma_wait3A_484] : memref<16x32x128xf32, #tpu.memory_space<vmem>> -> memref<1x32x128xf32, #tpu.memory_space<vmem>>
      %dma_wait3A_486 = tpu.memref_squeeze %dma_wait3A_485 : memref<1x32x128xf32, #tpu.memory_space<vmem>> -> memref<32x128xf32, #tpu.memory_space<vmem>>
      %dma_wait3A_487 = arith.constant 0 : i32
      %dma_wait3A_488 = arith.constant 0 : i32
      %dma_wait3A_489 = tpu.memref_slice %arg3[%dma_wait3A_487, %dma_wait3A_488] : memref<32x1000000xf32, #tpu.memory_space<hbm>> -> memref<32x128xf32, #tpu.memory_space<hbm>>
      %dma_wait3A_490 = arith.constant 0 : i32
      %dma_wait3A_491 = arith.constant 0 : i32
      %dma_wait3A_492 = tpu.memref_slice %arg6[%dma_wait3A_482, %dma_wait3A_490, %dma_wait3A_491] : memref<16x32x128xf32, #tpu.memory_space<vmem>> -> memref<1x32x128xf32, #tpu.memory_space<vmem>>
      %dma_wait3A_493 = tpu.memref_squeeze %dma_wait3A_492 : memref<1x32x128xf32, #tpu.memory_space<vmem>> -> memref<32x128xf32, #tpu.memory_space<vmem>>
      %dma_wait3A_494 = arith.constant 0 : i32
      %dma_wait3A_495 = arith.constant 0 : i32
      %dma_wait3A_496 = tpu.memref_slice %arg3[%dma_wait3A_494, %dma_wait3A_495] : memref<32x1000000xf32, #tpu.memory_space<hbm>> -> memref<32x128xf32, #tpu.memory_space<hbm>>
      tpu.wait_dma2 semaphore(%arg8 : memref<!tpu.dma_semaphore, #tpu.memory_space<semaphore_mem>>) src(%dma_wait3A_496 : memref<32x128xf32, #tpu.memory_space<hbm>>) dst(%dma_wait3A_493 : memref<32x128xf32, #tpu.memory_space<vmem>>)
      %dma_wait3A_497 = arith.constant 13 : i32
      %dma_wait3A_498 = arith.constant 0 : i32
      %dma_wait3A_499 = arith.constant 0 : i32
      %dma_wait3A_500 = tpu.memref_slice %arg6[%dma_wait3A_497, %dma_wait3A_498, %dma_wait3A_499] : memref<16x32x128xf32, #tpu.memory_space<vmem>> -> memref<1x32x128xf32, #tpu.memory_space<vmem>>
      %dma_wait3A_501 = tpu.memref_squeeze %dma_wait3A_500 : memref<1x32x128xf32, #tpu.memory_space<vmem>> -> memref<32x128xf32, #tpu.memory_space<vmem>>
      %dma_wait3A_502 = arith.constant 0 : i32
      %dma_wait3A_503 = arith.constant 0 : i32
      %dma_wait3A_504 = tpu.memref_slice %arg3[%dma_wait3A_502, %dma_wait3A_503] : memref<32x1000000xf32, #tpu.memory_space<hbm>> -> memref<32x128xf32, #tpu.memory_space<hbm>>
      %dma_wait3A_505 = arith.constant 0 : i32
      %dma_wait3A_506 = arith.constant 0 : i32
      %dma_wait3A_507 = tpu.memref_slice %arg6[%dma_wait3A_497, %dma_wait3A_505, %dma_wait3A_506] : memref<16x32x128xf32, #tpu.memory_space<vmem>> -> memref<1x32x128xf32, #tpu.memory_space<vmem>>
      %dma_wait3A_508 = tpu.memref_squeeze %dma_wait3A_507 : memref<1x32x128xf32, #tpu.memory_space<vmem>> -> memref<32x128xf32, #tpu.memory_space<vmem>>
      %dma_wait3A_509 = arith.constant 0 : i32
      %dma_wait3A_510 = arith.constant 0 : i32
      %dma_wait3A_511 = tpu.memref_slice %arg3[%dma_wait3A_509, %dma_wait3A_510] : memref<32x1000000xf32, #tpu.memory_space<hbm>> -> memref<32x128xf32, #tpu.memory_space<hbm>>
      tpu.wait_dma2 semaphore(%arg8 : memref<!tpu.dma_semaphore, #tpu.memory_space<semaphore_mem>>) src(%dma_wait3A_511 : memref<32x128xf32, #tpu.memory_space<hbm>>) dst(%dma_wait3A_508 : memref<32x128xf32, #tpu.memory_space<vmem>>)
      %dma_wait3A_512 = arith.constant 14 : i32
      %dma_wait3A_513 = arith.constant 0 : i32
      %dma_wait3A_514 = arith.constant 0 : i32
      %dma_wait3A_515 = tpu.memref_slice %arg6[%dma_wait3A_512, %dma_wait3A_513, %dma_wait3A_514] : memref<16x32x128xf32, #tpu.memory_space<vmem>> -> memref<1x32x128xf32, #tpu.memory_space<vmem>>
      %dma_wait3A_516 = tpu.memref_squeeze %dma_wait3A_515 : memref<1x32x128xf32, #tpu.memory_space<vmem>> -> memref<32x128xf32, #tpu.memory_space<vmem>>
      %dma_wait3A_517 = arith.constant 0 : i32
      %dma_wait3A_518 = arith.constant 0 : i32
      %dma_wait3A_519 = tpu.memref_slice %arg3[%dma_wait3A_517, %dma_wait3A_518] : memref<32x1000000xf32, #tpu.memory_space<hbm>> -> memref<32x128xf32, #tpu.memory_space<hbm>>
      %dma_wait3A_520 = arith.constant 0 : i32
      %dma_wait3A_521 = arith.constant 0 : i32
      %dma_wait3A_522 = tpu.memref_slice %arg6[%dma_wait3A_512, %dma_wait3A_520, %dma_wait3A_521] : memref<16x32x128xf32, #tpu.memory_space<vmem>> -> memref<1x32x128xf32, #tpu.memory_space<vmem>>
      %dma_wait3A_523 = tpu.memref_squeeze %dma_wait3A_522 : memref<1x32x128xf32, #tpu.memory_space<vmem>> -> memref<32x128xf32, #tpu.memory_space<vmem>>
      %dma_wait3A_524 = arith.constant 0 : i32
      %dma_wait3A_525 = arith.constant 0 : i32
      %dma_wait3A_526 = tpu.memref_slice %arg3[%dma_wait3A_524, %dma_wait3A_525] : memref<32x1000000xf32, #tpu.memory_space<hbm>> -> memref<32x128xf32, #tpu.memory_space<hbm>>
      tpu.wait_dma2 semaphore(%arg8 : memref<!tpu.dma_semaphore, #tpu.memory_space<semaphore_mem>>) src(%dma_wait3A_526 : memref<32x128xf32, #tpu.memory_space<hbm>>) dst(%dma_wait3A_523 : memref<32x128xf32, #tpu.memory_space<vmem>>)
      %dma_wait3A_527 = arith.constant 15 : i32
      %dma_wait3A_528 = arith.constant 0 : i32
      %dma_wait3A_529 = arith.constant 0 : i32
      %dma_wait3A_530 = tpu.memref_slice %arg6[%dma_wait3A_527, %dma_wait3A_528, %dma_wait3A_529] : memref<16x32x128xf32, #tpu.memory_space<vmem>> -> memref<1x32x128xf32, #tpu.memory_space<vmem>>
      %dma_wait3A_531 = tpu.memref_squeeze %dma_wait3A_530 : memref<1x32x128xf32, #tpu.memory_space<vmem>> -> memref<32x128xf32, #tpu.memory_space<vmem>>
      %dma_wait3A_532 = arith.constant 0 : i32
      %dma_wait3A_533 = arith.constant 0 : i32
      %dma_wait3A_534 = tpu.memref_slice %arg3[%dma_wait3A_532, %dma_wait3A_533] : memref<32x1000000xf32, #tpu.memory_space<hbm>> -> memref<32x128xf32, #tpu.memory_space<hbm>>
      %dma_wait3A_535 = arith.constant 0 : i32
      %dma_wait3A_536 = arith.constant 0 : i32
      %dma_wait3A_537 = tpu.memref_slice %arg6[%dma_wait3A_527, %dma_wait3A_535, %dma_wait3A_536] : memref<16x32x128xf32, #tpu.memory_space<vmem>> -> memref<1x32x128xf32, #tpu.memory_space<vmem>>
      %dma_wait3A_538 = tpu.memref_squeeze %dma_wait3A_537 : memref<1x32x128xf32, #tpu.memory_space<vmem>> -> memref<32x128xf32, #tpu.memory_space<vmem>>
      %dma_wait3A_539 = arith.constant 0 : i32
      %dma_wait3A_540 = arith.constant 0 : i32
      %dma_wait3A_541 = tpu.memref_slice %arg3[%dma_wait3A_539, %dma_wait3A_540] : memref<32x1000000xf32, #tpu.memory_space<hbm>> -> memref<32x128xf32, #tpu.memory_space<hbm>>
      tpu.wait_dma2 semaphore(%arg8 : memref<!tpu.dma_semaphore, #tpu.memory_space<semaphore_mem>>) src(%dma_wait3A_541 : memref<32x128xf32, #tpu.memory_space<hbm>>) dst(%dma_wait3A_538 : memref<32x128xf32, #tpu.memory_space<vmem>>)
      %slice3A_542 = vector.extract_strided_slice %and3A_18 {offsets = [0], sizes = [1], strides = [1]} : vector<16xi32> to vector<1xi32>
      %squeeze3A_543 = vector.extract %slice3A_542[0] : i32 from vector<1xi32>
      %broadcast_in_dim3A = vector.broadcast %squeeze3A_543 : i32 to vector<16xi32>
      %mul3A_544 = arith.constant 16 : i32
      %mul3A_545 = arith.muli %scan3A_11, %mul3A_544 : i32
      %add3A_546 = arith.constant 0 : i32
      %add3A_547 = arith.addi %mul3A_545, %add3A_546 : i32
      %broadcast_in_dim3A_548 = vector.broadcast %add3A_547 : i32 to vector<16xi32>
      %gather3A = arith.constant 0 : i32
      %gather3A_549 = arith.constant 0 : i32
      %gather3A_550 = arith.constant 0 : i32
      %gather3A_551 = tpu.memref_slice %arg6[%gather3A, %gather3A_549, %gather3A_550] : memref<16x32x128xf32, #tpu.memory_space<vmem>> -> memref<1x32x128xf32, #tpu.memory_space<vmem>>
      %gather3A_552 = tpu.memref_squeeze %gather3A_551 : memref<1x32x128xf32, #tpu.memory_space<vmem>> -> memref<32x128xf32, #tpu.memory_space<vmem>>
      %gather3A_553 = tpu.vector_load_idx %gather3A_552[%iota3A, %broadcast_in_dim3A] : memref<32x128xf32, #tpu.memory_space<vmem>>[vector<16xi32>, vector<16xi32>], vector<16xf32>,
      %gather3A_554 = arith.constant 0 : i32
      %gather3A_555 = arith.constant 0 : i32
      %gather3A_556 = arith.constant 0 : i32
      %gather3A_557 = tpu.memref_slice %arg6[%gather3A_554, %gather3A_555, %gather3A_556] : memref<16x32x128xf32, #tpu.memory_space<vmem>> -> memref<1x32x128xf32, #tpu.memory_space<vmem>>
      %gather3A_558 = tpu.memref_squeeze %gather3A_557 : memref<1x32x128xf32, #tpu.memory_space<vmem>> -> memref<32x128xf32, #tpu.memory_space<vmem>>
      %gather3A_559 = tpu.vector_load_idx %gather3A_558[%add3A_5, %broadcast_in_dim3A] : memref<32x128xf32, #tpu.memory_space<vmem>>[vector<16xi32>, vector<16xi32>], vector<16xf32>,
      tpu.vector_store_idx %arg7[%iota3A, %broadcast_in_dim3A_548], %gather3A_553 : memref<32x512xf32, #tpu.memory_space<vmem>>[vector<16xi32>, vector<16xi32>], vector<16xf32>,
      tpu.vector_store_idx %arg7[%add3A_5, %broadcast_in_dim3A_548], %gather3A_559 : memref<32x512xf32, #tpu.memory_space<vmem>>[vector<16xi32>, vector<16xi32>], vector<16xf32>,
      %slice3A_560 = vector.extract_strided_slice %and3A_18 {offsets = [1], sizes = [1], strides = [1]} : vector<16xi32> to vector<1xi32>
      %squeeze3A_561 = vector.extract %slice3A_560[0] : i32 from vector<1xi32>
      %broadcast_in_dim3A_562 = vector.broadcast %squeeze3A_561 : i32 to vector<16xi32>
      %mul3A_563 = arith.constant 16 : i32
      %mul3A_564 = arith.muli %scan3A_11, %mul3A_563 : i32
      %add3A_565 = arith.constant 1 : i32
      %add3A_566 = arith.addi %mul3A_564, %add3A_565 : i32
      %broadcast_in_dim3A_567 = vector.broadcast %add3A_566 : i32 to vector<16xi32>
      %gather3A_568 = arith.constant 1 : i32
      %gather3A_569 = arith.constant 0 : i32
      %gather3A_570 = arith.constant 0 : i32
      %gather3A_571 = tpu.memref_slice %arg6[%gather3A_568, %gather3A_569, %gather3A_570] : memref<16x32x128xf32, #tpu.memory_space<vmem>> -> memref<1x32x128xf32, #tpu.memory_space<vmem>>
      %gather3A_572 = tpu.memref_squeeze %gather3A_571 : memref<1x32x128xf32, #tpu.memory_space<vmem>> -> memref<32x128xf32, #tpu.memory_space<vmem>>
      %gather3A_573 = tpu.vector_load_idx %gather3A_572[%iota3A, %broadcast_in_dim3A_562] : memref<32x128xf32, #tpu.memory_space<vmem>>[vector<16xi32>, vector<16xi32>], vector<16xf32>,
      %gather3A_574 = arith.constant 1 : i32
      %gather3A_575 = arith.constant 0 : i32
      %gather3A_576 = arith.constant 0 : i32
      %gather3A_577 = tpu.memref_slice %arg6[%gather3A_574, %gather3A_575, %gather3A_576] : memref<16x32x128xf32, #tpu.memory_space<vmem>> -> memref<1x32x128xf32, #tpu.memory_space<vmem>>
      %gather3A_578 = tpu.memref_squeeze %gather3A_577 : memref<1x32x128xf32, #tpu.memory_space<vmem>> -> memref<32x128xf32, #tpu.memory_space<vmem>>
      %gather3A_579 = tpu.vector_load_idx %gather3A_578[%add3A_5, %broadcast_in_dim3A_562] : memref<32x128xf32, #tpu.memory_space<vmem>>[vector<16xi32>, vector<16xi32>], vector<16xf32>,
      tpu.vector_store_idx %arg7[%iota3A, %broadcast_in_dim3A_567], %gather3A_573 : memref<32x512xf32, #tpu.memory_space<vmem>>[vector<16xi32>, vector<16xi32>], vector<16xf32>,
      tpu.vector_store_idx %arg7[%add3A_5, %broadcast_in_dim3A_567], %gather3A_579 : memref<32x512xf32, #tpu.memory_space<vmem>>[vector<16xi32>, vector<16xi32>], vector<16xf32>,
      %slice3A_580 = vector.extract_strided_slice %and3A_18 {offsets = [2], sizes = [1], strides = [1]} : vector<16xi32> to vector<1xi32>
      %squeeze3A_581 = vector.extract %slice3A_580[0] : i32 from vector<1xi32>
      %broadcast_in_dim3A_582 = vector.broadcast %squeeze3A_581 : i32 to vector<16xi32>
      %mul3A_583 = arith.constant 16 : i32
      %mul3A_584 = arith.muli %scan3A_11, %mul3A_583 : i32
      %add3A_585 = arith.constant 2 : i32
      %add3A_586 = arith.addi %mul3A_584, %add3A_585 : i32
      %broadcast_in_dim3A_587 = vector.broadcast %add3A_586 : i32 to vector<16xi32>
      %gather3A_588 = arith.constant 2 : i32
      %gather3A_589 = arith.constant 0 : i32
      %gather3A_590 = arith.constant 0 : i32
      %gather3A_591 = tpu.memref_slice %arg6[%gather3A_588, %gather3A_589, %gather3A_590] : memref<16x32x128xf32, #tpu.memory_space<vmem>> -> memref<1x32x128xf32, #tpu.memory_space<vmem>>
      %gather3A_592 = tpu.memref_squeeze %gather3A_591 : memref<1x32x128xf32, #tpu.memory_space<vmem>> -> memref<32x128xf32, #tpu.memory_space<vmem>>
      %gather3A_593 = tpu.vector_load_idx %gather3A_592[%iota3A, %broadcast_in_dim3A_582] : memref<32x128xf32, #tpu.memory_space<vmem>>[vector<16xi32>, vector<16xi32>], vector<16xf32>,
      %gather3A_594 = arith.constant 2 : i32
      %gather3A_595 = arith.constant 0 : i32
      %gather3A_596 = arith.constant 0 : i32
      %gather3A_597 = tpu.memref_slice %arg6[%gather3A_594, %gather3A_595, %gather3A_596] : memref<16x32x128xf32, #tpu.memory_space<vmem>> -> memref<1x32x128xf32, #tpu.memory_space<vmem>>
      %gather3A_598 = tpu.memref_squeeze %gather3A_597 : memref<1x32x128xf32, #tpu.memory_space<vmem>> -> memref<32x128xf32, #tpu.memory_space<vmem>>
      %gather3A_599 = tpu.vector_load_idx %gather3A_598[%add3A_5, %broadcast_in_dim3A_582] : memref<32x128xf32, #tpu.memory_space<vmem>>[vector<16xi32>, vector<16xi32>], vector<16xf32>,
      tpu.vector_store_idx %arg7[%iota3A, %broadcast_in_dim3A_587], %gather3A_593 : memref<32x512xf32, #tpu.memory_space<vmem>>[vector<16xi32>, vector<16xi32>], vector<16xf32>,
      tpu.vector_store_idx %arg7[%add3A_5, %broadcast_in_dim3A_587], %gather3A_599 : memref<32x512xf32, #tpu.memory_space<vmem>>[vector<16xi32>, vector<16xi32>], vector<16xf32>,
      %slice3A_600 = vector.extract_strided_slice %and3A_18 {offsets = [3], sizes = [1], strides = [1]} : vector<16xi32> to vector<1xi32>
      %squeeze3A_601 = vector.extract %slice3A_600[0] : i32 from vector<1xi32>
      %broadcast_in_dim3A_602 = vector.broadcast %squeeze3A_601 : i32 to vector<16xi32>
      %mul3A_603 = arith.constant 16 : i32
      %mul3A_604 = arith.muli %scan3A_11, %mul3A_603 : i32
      %add3A_605 = arith.constant 3 : i32
      %add3A_606 = arith.addi %mul3A_604, %add3A_605 : i32
      %broadcast_in_dim3A_607 = vector.broadcast %add3A_606 : i32 to vector<16xi32>
      %gather3A_608 = arith.constant 3 : i32
      %gather3A_609 = arith.constant 0 : i32
      %gather3A_610 = arith.constant 0 : i32
      %gather3A_611 = tpu.memref_slice %arg6[%gather3A_608, %gather3A_609, %gather3A_610] : memref<16x32x128xf32, #tpu.memory_space<vmem>> -> memref<1x32x128xf32, #tpu.memory_space<vmem>>
      %gather3A_612 = tpu.memref_squeeze %gather3A_611 : memref<1x32x128xf32, #tpu.memory_space<vmem>> -> memref<32x128xf32, #tpu.memory_space<vmem>>
      %gather3A_613 = tpu.vector_load_idx %gather3A_612[%iota3A, %broadcast_in_dim3A_602] : memref<32x128xf32, #tpu.memory_space<vmem>>[vector<16xi32>, vector<16xi32>], vector<16xf32>,
      %gather3A_614 = arith.constant 3 : i32
      %gather3A_615 = arith.constant 0 : i32
      %gather3A_616 = arith.constant 0 : i32
      %gather3A_617 = tpu.memref_slice %arg6[%gather3A_614, %gather3A_615, %gather3A_616] : memref<16x32x128xf32, #tpu.memory_space<vmem>> -> memref<1x32x128xf32, #tpu.memory_space<vmem>>
      %gather3A_618 = tpu.memref_squeeze %gather3A_617 : memref<1x32x128xf32, #tpu.memory_space<vmem>> -> memref<32x128xf32, #tpu.memory_space<vmem>>
      %gather3A_619 = tpu.vector_load_idx %gather3A_618[%add3A_5, %broadcast_in_dim3A_602] : memref<32x128xf32, #tpu.memory_space<vmem>>[vector<16xi32>, vector<16xi32>], vector<16xf32>,
      tpu.vector_store_idx %arg7[%iota3A, %broadcast_in_dim3A_607], %gather3A_613 : memref<32x512xf32, #tpu.memory_space<vmem>>[vector<16xi32>, vector<16xi32>], vector<16xf32>,
      tpu.vector_store_idx %arg7[%add3A_5, %broadcast_in_dim3A_607], %gather3A_619 : memref<32x512xf32, #tpu.memory_space<vmem>>[vector<16xi32>, vector<16xi32>], vector<16xf32>,
      %slice3A_620 = vector.extract_strided_slice %and3A_18 {offsets = [4], sizes = [1], strides = [1]} : vector<16xi32> to vector<1xi32>
      %squeeze3A_621 = vector.extract %slice3A_620[0] : i32 from vector<1xi32>
      %broadcast_in_dim3A_622 = vector.broadcast %squeeze3A_621 : i32 to vector<16xi32>
      %mul3A_623 = arith.constant 16 : i32
      %mul3A_624 = arith.muli %scan3A_11, %mul3A_623 : i32
      %add3A_625 = arith.constant 4 : i32
      %add3A_626 = arith.addi %mul3A_624, %add3A_625 : i32
      %broadcast_in_dim3A_627 = vector.broadcast %add3A_626 : i32 to vector<16xi32>
      %gather3A_628 = arith.constant 4 : i32
      %gather3A_629 = arith.constant 0 : i32
      %gather3A_630 = arith.constant 0 : i32
      %gather3A_631 = tpu.memref_slice %arg6[%gather3A_628, %gather3A_629, %gather3A_630] : memref<16x32x128xf32, #tpu.memory_space<vmem>> -> memref<1x32x128xf32, #tpu.memory_space<vmem>>
      %gather3A_632 = tpu.memref_squeeze %gather3A_631 : memref<1x32x128xf32, #tpu.memory_space<vmem>> -> memref<32x128xf32, #tpu.memory_space<vmem>>
      %gather3A_633 = tpu.vector_load_idx %gather3A_632[%iota3A, %broadcast_in_dim3A_622] : memref<32x128xf32, #tpu.memory_space<vmem>>[vector<16xi32>, vector<16xi32>], vector<16xf32>,
      %gather3A_634 = arith.constant 4 : i32
      %gather3A_635 = arith.constant 0 : i32
      %gather3A_636 = arith.constant 0 : i32
      %gather3A_637 = tpu.memref_slice %arg6[%gather3A_634, %gather3A_635, %gather3A_636] : memref<16x32x128xf32, #tpu.memory_space<vmem>> -> memref<1x32x128xf32, #tpu.memory_space<vmem>>
      %gather3A_638 = tpu.memref_squeeze %gather3A_637 : memref<1x32x128xf32, #tpu.memory_space<vmem>> -> memref<32x128xf32, #tpu.memory_space<vmem>>
      %gather3A_639 = tpu.vector_load_idx %gather3A_638[%add3A_5, %broadcast_in_dim3A_622] : memref<32x128xf32, #tpu.memory_space<vmem>>[vector<16xi32>, vector<16xi32>], vector<16xf32>,
      tpu.vector_store_idx %arg7[%iota3A, %broadcast_in_dim3A_627], %gather3A_633 : memref<32x512xf32, #tpu.memory_space<vmem>>[vector<16xi32>, vector<16xi32>], vector<16xf32>,
      tpu.vector_store_idx %arg7[%add3A_5, %broadcast_in_dim3A_627], %gather3A_639 : memref<32x512xf32, #tpu.memory_space<vmem>>[vector<16xi32>, vector<16xi32>], vector<16xf32>,
      %slice3A_640 = vector.extract_strided_slice %and3A_18 {offsets = [5], sizes = [1], strides = [1]} : vector<16xi32> to vector<1xi32>
      %squeeze3A_641 = vector.extract %slice3A_640[0] : i32 from vector<1xi32>
      %broadcast_in_dim3A_642 = vector.broadcast %squeeze3A_641 : i32 to vector<16xi32>
      %mul3A_643 = arith.constant 16 : i32
      %mul3A_644 = arith.muli %scan3A_11, %mul3A_643 : i32
      %add3A_645 = arith.constant 5 : i32
      %add3A_646 = arith.addi %mul3A_644, %add3A_645 : i32
      %broadcast_in_dim3A_647 = vector.broadcast %add3A_646 : i32 to vector<16xi32>
      %gather3A_648 = arith.constant 5 : i32
      %gather3A_649 = arith.constant 0 : i32
      %gather3A_650 = arith.constant 0 : i32
      %gather3A_651 = tpu.memref_slice %arg6[%gather3A_648, %gather3A_649, %gather3A_650] : memref<16x32x128xf32, #tpu.memory_space<vmem>> -> memref<1x32x128xf32, #tpu.memory_space<vmem>>
      %gather3A_652 = tpu.memref_squeeze %gather3A_651 : memref<1x32x128xf32, #tpu.memory_space<vmem>> -> memref<32x128xf32, #tpu.memory_space<vmem>>
      %gather3A_653 = tpu.vector_load_idx %gather3A_652[%iota3A, %broadcast_in_dim3A_642] : memref<32x128xf32, #tpu.memory_space<vmem>>[vector<16xi32>, vector<16xi32>], vector<16xf32>,
      %gather3A_654 = arith.constant 5 : i32
      %gather3A_655 = arith.constant 0 : i32
      %gather3A_656 = arith.constant 0 : i32
      %gather3A_657 = tpu.memref_slice %arg6[%gather3A_654, %gather3A_655, %gather3A_656] : memref<16x32x128xf32, #tpu.memory_space<vmem>> -> memref<1x32x128xf32, #tpu.memory_space<vmem>>
      %gather3A_658 = tpu.memref_squeeze %gather3A_657 : memref<1x32x128xf32, #tpu.memory_space<vmem>> -> memref<32x128xf32, #tpu.memory_space<vmem>>
      %gather3A_659 = tpu.vector_load_idx %gather3A_658[%add3A_5, %broadcast_in_dim3A_642] : memref<32x128xf32, #tpu.memory_space<vmem>>[vector<16xi32>, vector<16xi32>], vector<16xf32>,
      tpu.vector_store_idx %arg7[%iota3A, %broadcast_in_dim3A_647], %gather3A_653 : memref<32x512xf32, #tpu.memory_space<vmem>>[vector<16xi32>, vector<16xi32>], vector<16xf32>,
      tpu.vector_store_idx %arg7[%add3A_5, %broadcast_in_dim3A_647], %gather3A_659 : memref<32x512xf32, #tpu.memory_space<vmem>>[vector<16xi32>, vector<16xi32>], vector<16xf32>,
      %slice3A_660 = vector.extract_strided_slice %and3A_18 {offsets = [6], sizes = [1], strides = [1]} : vector<16xi32> to vector<1xi32>
      %squeeze3A_661 = vector.extract %slice3A_660[0] : i32 from vector<1xi32>
      %broadcast_in_dim3A_662 = vector.broadcast %squeeze3A_661 : i32 to vector<16xi32>
      %mul3A_663 = arith.constant 16 : i32
      %mul3A_664 = arith.muli %scan3A_11, %mul3A_663 : i32
      %add3A_665 = arith.constant 6 : i32
      %add3A_666 = arith.addi %mul3A_664, %add3A_665 : i32
      %broadcast_in_dim3A_667 = vector.broadcast %add3A_666 : i32 to vector<16xi32>
      %gather3A_668 = arith.constant 6 : i32
      %gather3A_669 = arith.constant 0 : i32
      %gather3A_670 = arith.constant 0 : i32
      %gather3A_671 = tpu.memref_slice %arg6[%gather3A_668, %gather3A_669, %gather3A_670] : memref<16x32x128xf32, #tpu.memory_space<vmem>> -> memref<1x32x128xf32, #tpu.memory_space<vmem>>
      %gather3A_672 = tpu.memref_squeeze %gather3A_671 : memref<1x32x128xf32, #tpu.memory_space<vmem>> -> memref<32x128xf32, #tpu.memory_space<vmem>>
      %gather3A_673 = tpu.vector_load_idx %gather3A_672[%iota3A, %broadcast_in_dim3A_662] : memref<32x128xf32, #tpu.memory_space<vmem>>[vector<16xi32>, vector<16xi32>], vector<16xf32>,
      %gather3A_674 = arith.constant 6 : i32
      %gather3A_675 = arith.constant 0 : i32
      %gather3A_676 = arith.constant 0 : i32
      %gather3A_677 = tpu.memref_slice %arg6[%gather3A_674, %gather3A_675, %gather3A_676] : memref<16x32x128xf32, #tpu.memory_space<vmem>> -> memref<1x32x128xf32, #tpu.memory_space<vmem>>
      %gather3A_678 = tpu.memref_squeeze %gather3A_677 : memref<1x32x128xf32, #tpu.memory_space<vmem>> -> memref<32x128xf32, #tpu.memory_space<vmem>>
      %gather3A_679 = tpu.vector_load_idx %gather3A_678[%add3A_5, %broadcast_in_dim3A_662] : memref<32x128xf32, #tpu.memory_space<vmem>>[vector<16xi32>, vector<16xi32>], vector<16xf32>,
      tpu.vector_store_idx %arg7[%iota3A, %broadcast_in_dim3A_667], %gather3A_673 : memref<32x512xf32, #tpu.memory_space<vmem>>[vector<16xi32>, vector<16xi32>], vector<16xf32>,
      tpu.vector_store_idx %arg7[%add3A_5, %broadcast_in_dim3A_667], %gather3A_679 : memref<32x512xf32, #tpu.memory_space<vmem>>[vector<16xi32>, vector<16xi32>], vector<16xf32>,
      %slice3A_680 = vector.extract_strided_slice %and3A_18 {offsets = [7], sizes = [1], strides = [1]} : vector<16xi32> to vector<1xi32>
      %squeeze3A_681 = vector.extract %slice3A_680[0] : i32 from vector<1xi32>
      %broadcast_in_dim3A_682 = vector.broadcast %squeeze3A_681 : i32 to vector<16xi32>
      %mul3A_683 = arith.constant 16 : i32
      %mul3A_684 = arith.muli %scan3A_11, %mul3A_683 : i32
      %add3A_685 = arith.constant 7 : i32
      %add3A_686 = arith.addi %mul3A_684, %add3A_685 : i32
      %broadcast_in_dim3A_687 = vector.broadcast %add3A_686 : i32 to vector<16xi32>
      %gather3A_688 = arith.constant 7 : i32
      %gather3A_689 = arith.constant 0 : i32
      %gather3A_690 = arith.constant 0 : i32
      %gather3A_691 = tpu.memref_slice %arg6[%gather3A_688, %gather3A_689, %gather3A_690] : memref<16x32x128xf32, #tpu.memory_space<vmem>> -> memref<1x32x128xf32, #tpu.memory_space<vmem>>
      %gather3A_692 = tpu.memref_squeeze %gather3A_691 : memref<1x32x128xf32, #tpu.memory_space<vmem>> -> memref<32x128xf32, #tpu.memory_space<vmem>>
      %gather3A_693 = tpu.vector_load_idx %gather3A_692[%iota3A, %broadcast_in_dim3A_682] : memref<32x128xf32, #tpu.memory_space<vmem>>[vector<16xi32>, vector<16xi32>], vector<16xf32>,
      %gather3A_694 = arith.constant 7 : i32
      %gather3A_695 = arith.constant 0 : i32
      %gather3A_696 = arith.constant 0 : i32
      %gather3A_697 = tpu.memref_slice %arg6[%gather3A_694, %gather3A_695, %gather3A_696] : memref<16x32x128xf32, #tpu.memory_space<vmem>> -> memref<1x32x128xf32, #tpu.memory_space<vmem>>
      %gather3A_698 = tpu.memref_squeeze %gather3A_697 : memref<1x32x128xf32, #tpu.memory_space<vmem>> -> memref<32x128xf32, #tpu.memory_space<vmem>>
      %gather3A_699 = tpu.vector_load_idx %gather3A_698[%add3A_5, %broadcast_in_dim3A_682] : memref<32x128xf32, #tpu.memory_space<vmem>>[vector<16xi32>, vector<16xi32>], vector<16xf32>,
      tpu.vector_store_idx %arg7[%iota3A, %broadcast_in_dim3A_687], %gather3A_693 : memref<32x512xf32, #tpu.memory_space<vmem>>[vector<16xi32>, vector<16xi32>], vector<16xf32>,
      tpu.vector_store_idx %arg7[%add3A_5, %broadcast_in_dim3A_687], %gather3A_699 : memref<32x512xf32, #tpu.memory_space<vmem>>[vector<16xi32>, vector<16xi32>], vector<16xf32>,
      %slice3A_700 = vector.extract_strided_slice %and3A_18 {offsets = [8], sizes = [1], strides = [1]} : vector<16xi32> to vector<1xi32>
      %squeeze3A_701 = vector.extract %slice3A_700[0] : i32 from vector<1xi32>
      %broadcast_in_dim3A_702 = vector.broadcast %squeeze3A_701 : i32 to vector<16xi32>
      %mul3A_703 = arith.constant 16 : i32
      %mul3A_704 = arith.muli %scan3A_11, %mul3A_703 : i32
      %add3A_705 = arith.constant 8 : i32
      %add3A_706 = arith.addi %mul3A_704, %add3A_705 : i32
      %broadcast_in_dim3A_707 = vector.broadcast %add3A_706 : i32 to vector<16xi32>
      %gather3A_708 = arith.constant 8 : i32
      %gather3A_709 = arith.constant 0 : i32
      %gather3A_710 = arith.constant 0 : i32
      %gather3A_711 = tpu.memref_slice %arg6[%gather3A_708, %gather3A_709, %gather3A_710] : memref<16x32x128xf32, #tpu.memory_space<vmem>> -> memref<1x32x128xf32, #tpu.memory_space<vmem>>
      %gather3A_712 = tpu.memref_squeeze %gather3A_711 : memref<1x32x128xf32, #tpu.memory_space<vmem>> -> memref<32x128xf32, #tpu.memory_space<vmem>>
      %gather3A_713 = tpu.vector_load_idx %gather3A_712[%iota3A, %broadcast_in_dim3A_702] : memref<32x128xf32, #tpu.memory_space<vmem>>[vector<16xi32>, vector<16xi32>], vector<16xf32>,
      %gather3A_714 = arith.constant 8 : i32
      %gather3A_715 = arith.constant 0 : i32
      %gather3A_716 = arith.constant 0 : i32
      %gather3A_717 = tpu.memref_slice %arg6[%gather3A_714, %gather3A_715, %gather3A_716] : memref<16x32x128xf32, #tpu.memory_space<vmem>> -> memref<1x32x128xf32, #tpu.memory_space<vmem>>
      %gather3A_718 = tpu.memref_squeeze %gather3A_717 : memref<1x32x128xf32, #tpu.memory_space<vmem>> -> memref<32x128xf32, #tpu.memory_space<vmem>>
      %gather3A_719 = tpu.vector_load_idx %gather3A_718[%add3A_5, %broadcast_in_dim3A_702] : memref<32x128xf32, #tpu.memory_space<vmem>>[vector<16xi32>, vector<16xi32>], vector<16xf32>,
      tpu.vector_store_idx %arg7[%iota3A, %broadcast_in_dim3A_707], %gather3A_713 : memref<32x512xf32, #tpu.memory_space<vmem>>[vector<16xi32>, vector<16xi32>], vector<16xf32>,
      tpu.vector_store_idx %arg7[%add3A_5, %broadcast_in_dim3A_707], %gather3A_719 : memref<32x512xf32, #tpu.memory_space<vmem>>[vector<16xi32>, vector<16xi32>], vector<16xf32>,
      %slice3A_720 = vector.extract_strided_slice %and3A_18 {offsets = [9], sizes = [1], strides = [1]} : vector<16xi32> to vector<1xi32>
      %squeeze3A_721 = vector.extract %slice3A_720[0] : i32 from vector<1xi32>
      %broadcast_in_dim3A_722 = vector.broadcast %squeeze3A_721 : i32 to vector<16xi32>
      %mul3A_723 = arith.constant 16 : i32
      %mul3A_724 = arith.muli %scan3A_11, %mul3A_723 : i32
      %add3A_725 = arith.constant 9 : i32
      %add3A_726 = arith.addi %mul3A_724, %add3A_725 : i32
      %broadcast_in_dim3A_727 = vector.broadcast %add3A_726 : i32 to vector<16xi32>
      %gather3A_728 = arith.constant 9 : i32
      %gather3A_729 = arith.constant 0 : i32
      %gather3A_730 = arith.constant 0 : i32
      %gather3A_731 = tpu.memref_slice %arg6[%gather3A_728, %gather3A_729, %gather3A_730] : memref<16x32x128xf32, #tpu.memory_space<vmem>> -> memref<1x32x128xf32, #tpu.memory_space<vmem>>
      %gather3A_732 = tpu.memref_squeeze %gather3A_731 : memref<1x32x128xf32, #tpu.memory_space<vmem>> -> memref<32x128xf32, #tpu.memory_space<vmem>>
      %gather3A_733 = tpu.vector_load_idx %gather3A_732[%iota3A, %broadcast_in_dim3A_722] : memref<32x128xf32, #tpu.memory_space<vmem>>[vector<16xi32>, vector<16xi32>], vector<16xf32>,
      %gather3A_734 = arith.constant 9 : i32
      %gather3A_735 = arith.constant 0 : i32
      %gather3A_736 = arith.constant 0 : i32
      %gather3A_737 = tpu.memref_slice %arg6[%gather3A_734, %gather3A_735, %gather3A_736] : memref<16x32x128xf32, #tpu.memory_space<vmem>> -> memref<1x32x128xf32, #tpu.memory_space<vmem>>
      %gather3A_738 = tpu.memref_squeeze %gather3A_737 : memref<1x32x128xf32, #tpu.memory_space<vmem>> -> memref<32x128xf32, #tpu.memory_space<vmem>>
      %gather3A_739 = tpu.vector_load_idx %gather3A_738[%add3A_5, %broadcast_in_dim3A_722] : memref<32x128xf32, #tpu.memory_space<vmem>>[vector<16xi32>, vector<16xi32>], vector<16xf32>,
      tpu.vector_store_idx %arg7[%iota3A, %broadcast_in_dim3A_727], %gather3A_733 : memref<32x512xf32, #tpu.memory_space<vmem>>[vector<16xi32>, vector<16xi32>], vector<16xf32>,
      tpu.vector_store_idx %arg7[%add3A_5, %broadcast_in_dim3A_727], %gather3A_739 : memref<32x512xf32, #tpu.memory_space<vmem>>[vector<16xi32>, vector<16xi32>], vector<16xf32>,
      %slice3A_740 = vector.extract_strided_slice %and3A_18 {offsets = [10], sizes = [1], strides = [1]} : vector<16xi32> to vector<1xi32>
      %squeeze3A_741 = vector.extract %slice3A_740[0] : i32 from vector<1xi32>
      %broadcast_in_dim3A_742 = vector.broadcast %squeeze3A_741 : i32 to vector<16xi32>
      %mul3A_743 = arith.constant 16 : i32
      %mul3A_744 = arith.muli %scan3A_11, %mul3A_743 : i32
      %add3A_745 = arith.constant 10 : i32
      %add3A_746 = arith.addi %mul3A_744, %add3A_745 : i32
      %broadcast_in_dim3A_747 = vector.broadcast %add3A_746 : i32 to vector<16xi32>
      %gather3A_748 = arith.constant 10 : i32
      %gather3A_749 = arith.constant 0 : i32
      %gather3A_750 = arith.constant 0 : i32
      %gather3A_751 = tpu.memref_slice %arg6[%gather3A_748, %gather3A_749, %gather3A_750] : memref<16x32x128xf32, #tpu.memory_space<vmem>> -> memref<1x32x128xf32, #tpu.memory_space<vmem>>
      %gather3A_752 = tpu.memref_squeeze %gather3A_751 : memref<1x32x128xf32, #tpu.memory_space<vmem>> -> memref<32x128xf32, #tpu.memory_space<vmem>>
      %gather3A_753 = tpu.vector_load_idx %gather3A_752[%iota3A, %broadcast_in_dim3A_742] : memref<32x128xf32, #tpu.memory_space<vmem>>[vector<16xi32>, vector<16xi32>], vector<16xf32>,
      %gather3A_754 = arith.constant 10 : i32
      %gather3A_755 = arith.constant 0 : i32
      %gather3A_756 = arith.constant 0 : i32
      %gather3A_757 = tpu.memref_slice %arg6[%gather3A_754, %gather3A_755, %gather3A_756] : memref<16x32x128xf32, #tpu.memory_space<vmem>> -> memref<1x32x128xf32, #tpu.memory_space<vmem>>
      %gather3A_758 = tpu.memref_squeeze %gather3A_757 : memref<1x32x128xf32, #tpu.memory_space<vmem>> -> memref<32x128xf32, #tpu.memory_space<vmem>>
      %gather3A_759 = tpu.vector_load_idx %gather3A_758[%add3A_5, %broadcast_in_dim3A_742] : memref<32x128xf32, #tpu.memory_space<vmem>>[vector<16xi32>, vector<16xi32>], vector<16xf32>,
      tpu.vector_store_idx %arg7[%iota3A, %broadcast_in_dim3A_747], %gather3A_753 : memref<32x512xf32, #tpu.memory_space<vmem>>[vector<16xi32>, vector<16xi32>], vector<16xf32>,
      tpu.vector_store_idx %arg7[%add3A_5, %broadcast_in_dim3A_747], %gather3A_759 : memref<32x512xf32, #tpu.memory_space<vmem>>[vector<16xi32>, vector<16xi32>], vector<16xf32>,
      %slice3A_760 = vector.extract_strided_slice %and3A_18 {offsets = [11], sizes = [1], strides = [1]} : vector<16xi32> to vector<1xi32>
      %squeeze3A_761 = vector.extract %slice3A_760[0] : i32 from vector<1xi32>
      %broadcast_in_dim3A_762 = vector.broadcast %squeeze3A_761 : i32 to vector<16xi32>
      %mul3A_763 = arith.constant 16 : i32
      %mul3A_764 = arith.muli %scan3A_11, %mul3A_763 : i32
      %add3A_765 = arith.constant 11 : i32
      %add3A_766 = arith.addi %mul3A_764, %add3A_765 : i32
      %broadcast_in_dim3A_767 = vector.broadcast %add3A_766 : i32 to vector<16xi32>
      %gather3A_768 = arith.constant 11 : i32
      %gather3A_769 = arith.constant 0 : i32
      %gather3A_770 = arith.constant 0 : i32
      %gather3A_771 = tpu.memref_slice %arg6[%gather3A_768, %gather3A_769, %gather3A_770] : memref<16x32x128xf32, #tpu.memory_space<vmem>> -> memref<1x32x128xf32, #tpu.memory_space<vmem>>
      %gather3A_772 = tpu.memref_squeeze %gather3A_771 : memref<1x32x128xf32, #tpu.memory_space<vmem>> -> memref<32x128xf32, #tpu.memory_space<vmem>>
      %gather3A_773 = tpu.vector_load_idx %gather3A_772[%iota3A, %broadcast_in_dim3A_762] : memref<32x128xf32, #tpu.memory_space<vmem>>[vector<16xi32>, vector<16xi32>], vector<16xf32>,
      %gather3A_774 = arith.constant 11 : i32
      %gather3A_775 = arith.constant 0 : i32
      %gather3A_776 = arith.constant 0 : i32
      %gather3A_777 = tpu.memref_slice %arg6[%gather3A_774, %gather3A_775, %gather3A_776] : memref<16x32x128xf32, #tpu.memory_space<vmem>> -> memref<1x32x128xf32, #tpu.memory_space<vmem>>
      %gather3A_778 = tpu.memref_squeeze %gather3A_777 : memref<1x32x128xf32, #tpu.memory_space<vmem>> -> memref<32x128xf32, #tpu.memory_space<vmem>>
      %gather3A_779 = tpu.vector_load_idx %gather3A_778[%add3A_5, %broadcast_in_dim3A_762] : memref<32x128xf32, #tpu.memory_space<vmem>>[vector<16xi32>, vector<16xi32>], vector<16xf32>,
      tpu.vector_store_idx %arg7[%iota3A, %broadcast_in_dim3A_767], %gather3A_773 : memref<32x512xf32, #tpu.memory_space<vmem>>[vector<16xi32>, vector<16xi32>], vector<16xf32>,
      tpu.vector_store_idx %arg7[%add3A_5, %broadcast_in_dim3A_767], %gather3A_779 : memref<32x512xf32, #tpu.memory_space<vmem>>[vector<16xi32>, vector<16xi32>], vector<16xf32>,
      %slice3A_780 = vector.extract_strided_slice %and3A_18 {offsets = [12], sizes = [1], strides = [1]} : vector<16xi32> to vector<1xi32>
      %squeeze3A_781 = vector.extract %slice3A_780[0] : i32 from vector<1xi32>
      %broadcast_in_dim3A_782 = vector.broadcast %squeeze3A_781 : i32 to vector<16xi32>
      %mul3A_783 = arith.constant 16 : i32
      %mul3A_784 = arith.muli %scan3A_11, %mul3A_783 : i32
      %add3A_785 = arith.constant 12 : i32
      %add3A_786 = arith.addi %mul3A_784, %add3A_785 : i32
      %broadcast_in_dim3A_787 = vector.broadcast %add3A_786 : i32 to vector<16xi32>
      %gather3A_788 = arith.constant 12 : i32
      %gather3A_789 = arith.constant 0 : i32
      %gather3A_790 = arith.constant 0 : i32
      %gather3A_791 = tpu.memref_slice %arg6[%gather3A_788, %gather3A_789, %gather3A_790] : memref<16x32x128xf32, #tpu.memory_space<vmem>> -> memref<1x32x128xf32, #tpu.memory_space<vmem>>
      %gather3A_792 = tpu.memref_squeeze %gather3A_791 : memref<1x32x128xf32, #tpu.memory_space<vmem>> -> memref<32x128xf32, #tpu.memory_space<vmem>>
      %gather3A_793 = tpu.vector_load_idx %gather3A_792[%iota3A, %broadcast_in_dim3A_782] : memref<32x128xf32, #tpu.memory_space<vmem>>[vector<16xi32>, vector<16xi32>], vector<16xf32>,
      %gather3A_794 = arith.constant 12 : i32
      %gather3A_795 = arith.constant 0 : i32
      %gather3A_796 = arith.constant 0 : i32
      %gather3A_797 = tpu.memref_slice %arg6[%gather3A_794, %gather3A_795, %gather3A_796] : memref<16x32x128xf32, #tpu.memory_space<vmem>> -> memref<1x32x128xf32, #tpu.memory_space<vmem>>
      %gather3A_798 = tpu.memref_squeeze %gather3A_797 : memref<1x32x128xf32, #tpu.memory_space<vmem>> -> memref<32x128xf32, #tpu.memory_space<vmem>>
      %gather3A_799 = tpu.vector_load_idx %gather3A_798[%add3A_5, %broadcast_in_dim3A_782] : memref<32x128xf32, #tpu.memory_space<vmem>>[vector<16xi32>, vector<16xi32>], vector<16xf32>,
      tpu.vector_store_idx %arg7[%iota3A, %broadcast_in_dim3A_787], %gather3A_793 : memref<32x512xf32, #tpu.memory_space<vmem>>[vector<16xi32>, vector<16xi32>], vector<16xf32>,
      tpu.vector_store_idx %arg7[%add3A_5, %broadcast_in_dim3A_787], %gather3A_799 : memref<32x512xf32, #tpu.memory_space<vmem>>[vector<16xi32>, vector<16xi32>], vector<16xf32>,
      %slice3A_800 = vector.extract_strided_slice %and3A_18 {offsets = [13], sizes = [1], strides = [1]} : vector<16xi32> to vector<1xi32>
      %squeeze3A_801 = vector.extract %slice3A_800[0] : i32 from vector<1xi32>
      %broadcast_in_dim3A_802 = vector.broadcast %squeeze3A_801 : i32 to vector<16xi32>
      %mul3A_803 = arith.constant 16 : i32
      %mul3A_804 = arith.muli %scan3A_11, %mul3A_803 : i32
      %add3A_805 = arith.constant 13 : i32
      %add3A_806 = arith.addi %mul3A_804, %add3A_805 : i32
      %broadcast_in_dim3A_807 = vector.broadcast %add3A_806 : i32 to vector<16xi32>
      %gather3A_808 = arith.constant 13 : i32
      %gather3A_809 = arith.constant 0 : i32
      %gather3A_810 = arith.constant 0 : i32
      %gather3A_811 = tpu.memref_slice %arg6[%gather3A_808, %gather3A_809, %gather3A_810] : memref<16x32x128xf32, #tpu.memory_space<vmem>> -> memref<1x32x128xf32, #tpu.memory_space<vmem>>
      %gather3A_812 = tpu.memref_squeeze %gather3A_811 : memref<1x32x128xf32, #tpu.memory_space<vmem>> -> memref<32x128xf32, #tpu.memory_space<vmem>>
      %gather3A_813 = tpu.vector_load_idx %gather3A_812[%iota3A, %broadcast_in_dim3A_802] : memref<32x128xf32, #tpu.memory_space<vmem>>[vector<16xi32>, vector<16xi32>], vector<16xf32>,
      %gather3A_814 = arith.constant 13 : i32
      %gather3A_815 = arith.constant 0 : i32
      %gather3A_816 = arith.constant 0 : i32
      %gather3A_817 = tpu.memref_slice %arg6[%gather3A_814, %gather3A_815, %gather3A_816] : memref<16x32x128xf32, #tpu.memory_space<vmem>> -> memref<1x32x128xf32, #tpu.memory_space<vmem>>
      %gather3A_818 = tpu.memref_squeeze %gather3A_817 : memref<1x32x128xf32, #tpu.memory_space<vmem>> -> memref<32x128xf32, #tpu.memory_space<vmem>>
      %gather3A_819 = tpu.vector_load_idx %gather3A_818[%add3A_5, %broadcast_in_dim3A_802] : memref<32x128xf32, #tpu.memory_space<vmem>>[vector<16xi32>, vector<16xi32>], vector<16xf32>,
      tpu.vector_store_idx %arg7[%iota3A, %broadcast_in_dim3A_807], %gather3A_813 : memref<32x512xf32, #tpu.memory_space<vmem>>[vector<16xi32>, vector<16xi32>], vector<16xf32>,
      tpu.vector_store_idx %arg7[%add3A_5, %broadcast_in_dim3A_807], %gather3A_819 : memref<32x512xf32, #tpu.memory_space<vmem>>[vector<16xi32>, vector<16xi32>], vector<16xf32>,
      %slice3A_820 = vector.extract_strided_slice %and3A_18 {offsets = [14], sizes = [1], strides = [1]} : vector<16xi32> to vector<1xi32>
      %squeeze3A_821 = vector.extract %slice3A_820[0] : i32 from vector<1xi32>
      %broadcast_in_dim3A_822 = vector.broadcast %squeeze3A_821 : i32 to vector<16xi32>
      %mul3A_823 = arith.constant 16 : i32
      %mul3A_824 = arith.muli %scan3A_11, %mul3A_823 : i32
      %add3A_825 = arith.constant 14 : i32
      %add3A_826 = arith.addi %mul3A_824, %add3A_825 : i32
      %broadcast_in_dim3A_827 = vector.broadcast %add3A_826 : i32 to vector<16xi32>
      %gather3A_828 = arith.constant 14 : i32
      %gather3A_829 = arith.constant 0 : i32
      %gather3A_830 = arith.constant 0 : i32
      %gather3A_831 = tpu.memref_slice %arg6[%gather3A_828, %gather3A_829, %gather3A_830] : memref<16x32x128xf32, #tpu.memory_space<vmem>> -> memref<1x32x128xf32, #tpu.memory_space<vmem>>
      %gather3A_832 = tpu.memref_squeeze %gather3A_831 : memref<1x32x128xf32, #tpu.memory_space<vmem>> -> memref<32x128xf32, #tpu.memory_space<vmem>>
      %gather3A_833 = tpu.vector_load_idx %gather3A_832[%iota3A, %broadcast_in_dim3A_822] : memref<32x128xf32, #tpu.memory_space<vmem>>[vector<16xi32>, vector<16xi32>], vector<16xf32>,
      %gather3A_834 = arith.constant 14 : i32
      %gather3A_835 = arith.constant 0 : i32
      %gather3A_836 = arith.constant 0 : i32
      %gather3A_837 = tpu.memref_slice %arg6[%gather3A_834, %gather3A_835, %gather3A_836] : memref<16x32x128xf32, #tpu.memory_space<vmem>> -> memref<1x32x128xf32, #tpu.memory_space<vmem>>
      %gather3A_838 = tpu.memref_squeeze %gather3A_837 : memref<1x32x128xf32, #tpu.memory_space<vmem>> -> memref<32x128xf32, #tpu.memory_space<vmem>>
      %gather3A_839 = tpu.vector_load_idx %gather3A_838[%add3A_5, %broadcast_in_dim3A_822] : memref<32x128xf32, #tpu.memory_space<vmem>>[vector<16xi32>, vector<16xi32>], vector<16xf32>,
      tpu.vector_store_idx %arg7[%iota3A, %broadcast_in_dim3A_827], %gather3A_833 : memref<32x512xf32, #tpu.memory_space<vmem>>[vector<16xi32>, vector<16xi32>], vector<16xf32>,
      tpu.vector_store_idx %arg7[%add3A_5, %broadcast_in_dim3A_827], %gather3A_839 : memref<32x512xf32, #tpu.memory_space<vmem>>[vector<16xi32>, vector<16xi32>], vector<16xf32>,
      %slice3A_840 = vector.extract_strided_slice %and3A_18 {offsets = [15], sizes = [1], strides = [1]} : vector<16xi32> to vector<1xi32>
      %squeeze3A_841 = vector.extract %slice3A_840[0] : i32 from vector<1xi32>
      %broadcast_in_dim3A_842 = vector.broadcast %squeeze3A_841 : i32 to vector<16xi32>
      %mul3A_843 = arith.constant 16 : i32
      %mul3A_844 = arith.muli %scan3A_11, %mul3A_843 : i32
      %add3A_845 = arith.constant 15 : i32
      %add3A_846 = arith.addi %mul3A_844, %add3A_845 : i32
      %broadcast_in_dim3A_847 = vector.broadcast %add3A_846 : i32 to vector<16xi32>
      %gather3A_848 = arith.constant 15 : i32
      %gather3A_849 = arith.constant 0 : i32
      %gather3A_850 = arith.constant 0 : i32
      %gather3A_851 = tpu.memref_slice %arg6[%gather3A_848, %gather3A_849, %gather3A_850] : memref<16x32x128xf32, #tpu.memory_space<vmem>> -> memref<1x32x128xf32, #tpu.memory_space<vmem>>
      %gather3A_852 = tpu.memref_squeeze %gather3A_851 : memref<1x32x128xf32, #tpu.memory_space<vmem>> -> memref<32x128xf32, #tpu.memory_space<vmem>>
      %gather3A_853 = tpu.vector_load_idx %gather3A_852[%iota3A, %broadcast_in_dim3A_842] : memref<32x128xf32, #tpu.memory_space<vmem>>[vector<16xi32>, vector<16xi32>], vector<16xf32>,
      %gather3A_854 = arith.constant 15 : i32
      %gather3A_855 = arith.constant 0 : i32
      %gather3A_856 = arith.constant 0 : i32
      %gather3A_857 = tpu.memref_slice %arg6[%gather3A_854, %gather3A_855, %gather3A_856] : memref<16x32x128xf32, #tpu.memory_space<vmem>> -> memref<1x32x128xf32, #tpu.memory_space<vmem>>
      %gather3A_858 = tpu.memref_squeeze %gather3A_857 : memref<1x32x128xf32, #tpu.memory_space<vmem>> -> memref<32x128xf32, #tpu.memory_space<vmem>>
      %gather3A_859 = tpu.vector_load_idx %gather3A_858[%add3A_5, %broadcast_in_dim3A_842] : memref<32x128xf32, #tpu.memory_space<vmem>>[vector<16xi32>, vector<16xi32>], vector<16xf32>,
      tpu.vector_store_idx %arg7[%iota3A, %broadcast_in_dim3A_847], %gather3A_853 : memref<32x512xf32, #tpu.memory_space<vmem>>[vector<16xi32>, vector<16xi32>], vector<16xf32>,
      tpu.vector_store_idx %arg7[%add3A_5, %broadcast_in_dim3A_847], %gather3A_859 : memref<32x512xf32, #tpu.memory_space<vmem>>[vector<16xi32>, vector<16xi32>], vector<16xf32>,
    }
    %scan3A_10 = arith.constant 32 : i32
    "tpu.region"() ({
      %run_scoped3A = tpu.sem_alloc : memref<!tpu.dma_semaphore, #tpu.memory_space<semaphore_mem>>
      %dma_start3A = arith.constant 0 : i32
      %dma_start3A_11 = tpu.memref_slice %arg4[%dma_start3A, %mul3A_2] : memref<32x16384xf32, #tpu.memory_space<hbm>> -> memref<32x512xf32, #tpu.memory_space<hbm>>
      %dma_start3A_12 = arith.constant 0 : i32
      %dma_start3A_13 = tpu.memref_slice %arg4[%dma_start3A_12, %mul3A_2] : memref<32x16384xf32, #tpu.memory_space<hbm>> -> memref<32x512xf32, #tpu.memory_space<hbm>>
      tpu.enqueue_dma source(%arg7 : memref<32x512xf32, #tpu.memory_space<vmem>>) target(%dma_start3A_13 : memref<32x512xf32, #tpu.memory_space<hbm>>) target_semaphore(%run_scoped3A : memref<!tpu.dma_semaphore, #tpu.memory_space<semaphore_mem>>)
      %dma_wait3A = arith.constant 0 : i32
      %dma_wait3A_14 = tpu.memref_slice %arg4[%dma_wait3A, %mul3A_2] : memref<32x16384xf32, #tpu.memory_space<hbm>> -> memref<32x512xf32, #tpu.memory_space<hbm>>
      %dma_wait3A_15 = arith.constant 0 : i32
      %dma_wait3A_16 = tpu.memref_slice %arg4[%dma_wait3A_15, %mul3A_2] : memref<32x16384xf32, #tpu.memory_space<hbm>> -> memref<32x512xf32, #tpu.memory_space<hbm>>
      tpu.wait_dma2 semaphore(%run_scoped3A : memref<!tpu.dma_semaphore, #tpu.memory_space<semaphore_mem>>) src(%arg7 : memref<32x512xf32, #tpu.memory_space<vmem>>) dst(%dma_wait3A_16 : memref<32x512xf32, #tpu.memory_space<hbm>>)
      tpu.yield
    }) : () -> ()
    return
  }
}

</mosaic_0001>

<sc_bundles>
// kernel: kernel.3.cloned.1.call-start
scs
__scs_entry_jumppad:
0x0: {  	(pc) =	sbr.rel $0x88, $3  }
0x1: {  	(tag) =	ssettag $0x0;
	lr =	simm.s32 $0x1  }
0x2: {  	[smem:$0x3F9F] =	sst lr;
	_ =	strace $0xD0000000  }
0x3: {  	_ = 	snop  }
0x4: {  	_ = 	snop  }
0x5: {  	_ = 	snop  }
0x6: {  	_ = 	snop  }
0x7: {  	_ = 	snop  }
__scs_overlays_trampoline_lowered:
0x8: {  	[smem:$0x3FAE] =	sst s0  }
0x9: {  	[smem:$0x3FAF] =	sst s1  }
0xa: {  	[smem:$0x3FB0] =	sst s2  }
0xb: {  	[smem:$0x3FB1] =	sst s3  }
0xc: {  	[smem:$0x3FB2] =	sst s4  }
0xd: {  	[smem:$0x3FB3] =	sst s5  }
0xe: {  	[smem:$0x3FB4] =	sst s6  }
0xf: {  	[smem:$0x3FB5] =	sst s7  }
0x10: {  	[smem:$0x3FB6] =	sst s8  }
0x11: {  	[smem:$0x3FB7] =	sst s9;
	s0 =	simm.s32 @!p0 $0x0  }
0x12: {  	s1 =	sld [smem:$0x3F9D];
	s0 =	simm.s32 @p0 $0x1  }
0x13: {  	[smem:$0x3FB8] =	sst s0;
	s0 =	simm.s32 @!p1 $0x0  }
0x14: {  	s2 =	sld [smem:$0x3F9C];
	s0 =	simm.s32 @p1 $0x1  }
0x15: {  	[smem:$0x3FB9] =	sst s0;
	s0 =	simm.s32 @!p2 $0x0  }
0x16: {  	s3 =	sld [smem:$0x3FDB];
	s0 =	simm.s32 @p2 $0x1  }
0x17: {  	s4 =	simm.s32 $0x1BF5;
	[smem:$0x3FBB] =	sst s0  }
0x18: {  	s0 =	sld [smem:$0x3F9E];
	_ =	swait.ge [sflag:s4], $0x0  }
0x19: {  	s7 =	sld [smem:$0x3F9F]  }
0x1a: {  	s8 =	sadd.s32 $0xFFFFE003, lr  }
0x1b: {  	s9 =	sadd.s32 $0xFFFFFEF7, lr;
	s5 =	simm.s32 $0xFFFFFFFF;
	p2 =	slt.u32 s8, $0xFFFFF086  }
0x1c: {  	p1 =	slt.u32 s9, $0xF7A;
	s5 =	simm.s32 @!p2 $0x0  }
0x1d: {  	s5 =	simm.s32 @p1 $0x1;
	p0 =	seq.s32 s7, s2  }
0x1e: {  	s7 =	smul.u32 @!p0 $0xF7A, s2;
	p2 =	seq.s32 @!p0 s5, $0x0  }
0x1f: {  	s9 =	smul.u32 $0xF7A, s1;
	s8 =	simm.s32 @!p0 $0x1BF5;
	p2 =	por !p2, p0  }
0x20: {  	[sflag:s8] =	ssyncset.s32 @!p0 $0xFFFFF086;
	s6 =	sadd.s32 @!p0 s3, s7;
	s7 =	simm.s32 @!p0 $0x108  }
0x21: {  	s3 =	sadd.s32 s3, s9;
	s6 =	sadd.s32 @!p0 $0x88, s6;
	s7 =	simm.s32 @p2 $0x1082  }
0x22: {  	[simem:s7], [sflag:s8] =	dma.local @!p0 [hbm:s6], $0xF7A  }
0x23: {  	s9 =	sor.u32 $0xD0000000, s2;
	s6 =	simm.s32 $0x108;
	_ =	swait.ge @!p0 [sflag:s8], $0x0  }
0x24: {  	s3 =	sadd.s32 $0x88, s3;
	s6 =	simm.s32 @!p1 $0x1082;
	[sflag:s4] =	ssyncset.s32 $0xFFFFF086  }
0x25: {  	[simem:s6], [sflag:s4] =	dma.local [hbm:s3], $0xF7A  }
0x26: {  	[smem:$0x3F9F] =	sst s1;
	(tag) =	ssettag s2;
	_ =	strace s9  }
0x27: {  	s1 =	sld [smem:$0x3FAF]  }
0x28: {  	s2 =	sld [smem:$0x3FB0]  }
0x29: {  	s4 =	sld [smem:$0x3FB2]  }
0x2a: {  	p0 =	seq.s32 s5, $0x0;
	s5 =	sld [smem:$0x3FB3]  }
0x2b: {  	s6 =	sld [smem:$0x3FB4]  }
0x2c: {  	s7 =	sld [smem:$0x3FB5]  }
0x2d: {  	s3 =	simm.s32 $0x108;
	s8 =	sld [smem:$0x3FB6]  }
0x2e: {  	s3 =	simm.s32 @!p0 $0x1082;
	s9 =	sld [smem:$0x3FB7]  }
0x2f: {  	lr =	sadd.s32 s0, s3;
	s0 =	sld [smem:$0x3FAE]  }
0x30: {  	s3 =	sld [smem:$0x3FB1]  }
0x31: {  	[smem:$0x3FBA] =	sst s10  }
0x32: {  	s10 =	sld [smem:$0x3FB8];
	_ =	sdelay $0x3  }
0x33: {  	p0 =	seq.s32 s10, $0x1;
	s10 =	sld [smem:$0x3FBA];
	_ =	sdelay $0x3  }
0x34: {  	[smem:$0x3FBA] =	sst s10  }
0x35: {  	s10 =	sld [smem:$0x3FB9];
	_ =	sdelay $0x3  }
0x36: {  	p1 =	seq.s32 s10, $0x1;
	s10 =	sld [smem:$0x3FBA];
	_ =	sdelay $0x3  }
0x37: {  	[smem:$0x3FBA] =	sst s10  }
0x38: {  	s10 =	sld [smem:$0x3FBB]  }
0x39: {  	_ = 	snop;
	(pc) =	sbr.ind lr, $3  }
0x3a: {  	_ = 	snop  }
0x3b: {  	_ = 	snop  }
0x3c: {  	p2 =	seq.s32 s10, $0x1;
	s10 =	sld [smem:$0x3FBA]  }
0x3d: {  	_ =	shalt  }
0x3e: {  	_ =	shalt  }
0x3f: {  	_ =	shalt  }
0x40: {  	_ =	shalt  }
0x41: {  	_ =	shalt  }
0x42: {  	_ =	shalt  }
0x43: {  	_ =	shalt  }
0x44: {  	_ =	shalt  }
0x45: {  	_ =	shalt  }
0x46: {  	_ =	shalt  }
0x47: {  	_ =	shalt  }
0x48: {  	_ =	shalt  }
0x49: {  	_ =	shalt  }
0x4a: {  	_ =	shalt  }
0x4b: {  	_ =	shalt  }
0x4c: {  	_ =	shalt  }
0x4d: {  	_ =	shalt  }
0x4e: {  	_ =	shalt  }
0x4f: {  	_ =	shalt  }
0x50: {  	_ =	shalt  }
0x51: {  	_ =	shalt  }
0x52: {  	_ =	shalt  }
0x53: {  	_ =	shalt  }
0x54: {  	_ =	shalt  }
0x55: {  	_ =	shalt  }
0x56: {  	_ =	shalt  }
0x57: {  	_ =	shalt  }
0x58: {  	_ =	shalt  }
0x59: {  	_ =	shalt  }
0x5a: {  	_ =	shalt  }
0x5b: {  	_ =	shalt  }
0x5c: {  	_ =	shalt  }
0x5d: {  	_ =	shalt  }
0x5e: {  	_ =	shalt  }
0x5f: {  	_ =	shalt  }
0x60: {  	_ =	shalt  }
0x61: {  	_ =	shalt  }
0x62: {  	_ =	shalt  }
0x63: {  	_ =	shalt  }
0x64: {  	_ =	shalt  }
0x65: {  	_ =	shalt  }
0x66: {  	_ =	shalt  }
0x67: {  	_ =	shalt  }
0x68: {  	_ =	shalt  }
0x69: {  	_ =	shalt  }
0x6a: {  	_ =	shalt  }
0x6b: {  	_ =	shalt  }
0x6c: {  	_ =	shalt  }
0x6d: {  	_ =	shalt  }
0x6e: {  	_ =	shalt  }
0x6f: {  	_ =	shalt  }
0x70: {  	_ =	shalt  }
0x71: {  	_ =	shalt  }
0x72: {  	_ =	shalt  }
0x73: {  	_ =	shalt  }
0x74: {  	_ =	shalt  }
0x75: {  	_ =	shalt  }
0x76: {  	_ =	shalt  }
0x77: {  	_ =	shalt  }
0x78: {  	_ =	shalt  }
0x79: {  	_ =	shalt  }
0x7a: {  	_ =	shalt  }
0x7b: {  	_ =	shalt  }
0x7c: {  	_ =	shalt  }
0x7d: {  	_ =	shalt  }
0x7e: {  	_ =	shalt  }
0x7f: {  	_ =	shalt  }
0x80: {  	_ =	shalt  }
0x81: {  	_ =	shalt  }
0x82: {  	_ =	shalt  }
0x83: {  	_ =	shalt  }
0x84: {  	_ =	shalt  }
0x85: {  	_ =	shalt  }
0x86: {  	_ =	shalt  }
0x87: {  	_ =	shalt  }
.Lfunc_end0:
.L_simem_size_0:
called_computation_lowered:
.L_overlay_start_0:
0x88: {  	s2 =	sld [smem:$0x3FD9]  }
0x89: {  	s3 =	sld [smem:$0x3FFE];
	_ =	sdelay $0x1  }
0x8a: {  	s1 =	srdreg.scid  }
0x8b: {  	s0 =	sand.u32 $0x1, s1  }
0x8c: {  	s18 =	sshll.u32 s0, $0xA;
	s2 =	sadd.s32 s3, s2  }
0x8d: {  	s2 =	sadd.s32 s2, s18  }
0x8e: {  	[smem:$0x3FC6] =	sst s2  }
0x8f: {  	_ = 	snop  }
0x90: {  	s2 =	sld [smem:$0x3FC9]  }
0x91: {  	s19 =	sld [smem:$0x3FC8]  }
0x92: {  	s4 =	sld [smem:$0x3FD0];
	(tm) =	ssettm $0x1  }
0x93: {  	s5 =	sld [smem:$0x3FFB];
	_ =	sdelay $0x3  }
0x94: {  	_ =	strace s5  }
0x95: {  	s5 =	sld [smem:$0x3FFC];
	_ =	sdelay $0x3  }
0x96: {  	_ =	strace s5  }
0x97: {  	s5 =	sld [smem:$0x3FFD];
	_ =	sdelay $0x3  }
0x98: {  	_ =	strace s5  }
0x99: {  	_ =	strace $0x8FFFFFFF  }
0x9a: {  	s20 =	sld [smem:$0x3FDB];
	_ =	sdelay $0x1  }
0x9b: {  	s6 =	simm.s32 $_scs_section_size  }
0x9c: {  	s7 =	simm.s32 $_size__tile_overlayer_lowered;
	s8 =	simm.s32 $_tile_overlayer_lowered  }
0x9d: {  	s23 =	simm.s32 $0x1BFF;
	s22 =	sshll.u32 s8, $0x1;
	s5 =	sadd.s32 s6, s20  }
0x9e: {  	s9 =	simm.s32 $0x0;
	s21 =	sshll.u32 s7, $0x1;
	s7 =	sadd.s32 s22, s5  }
0x9f: {  	[timem:s9], [sflag:s23] =	dma.local [hbm:s7], s21  }
0xa0: {  	_ =	swait.ge [sflag:s23], s21  }
0xa1: {  	s6 =	ssub.s32 $0x0, s21;
	[sflag:s23] =	ssyncset.done $0x0  }
0xa2: {  	[sflag:s23] =	ssyncadd.s32 s6;
	_ =	sdelay $0x1  }
0xa3: {  	s24 =	simm.s32 $0x1B8B  }
0xa4: {  	_ =	swait.ge [sflag:s24], $0x1  }
0xa5: {  	[sflag:s24] =	ssyncset.done $0x0  }
0xa6: {  	s25 =	simm.s32 $0x1B8E;
	[sflag:s24] =	ssyncadd.s32 $0xFFFFFFFF  }
0xa7: {  	s26 =	simm.s32 $execute0_lowered;
	[smem:$0x3FD2] =	sst s25  }
0xa8: {  	s6 =	sshll.u32 s26, $0x1;
	_ =	strace $0x80000046;
	[dreg:$0x1] =	wrdreg $0xFFFFFFFF  }
0xa9: {  	s28 =	simm.s32 $_size_execute0_lowered;
	s5 =	sadd.s32 s5, s6;
	[dreg:$0x0] =	wrdreg $0x0  }
0xaa: {  	s6 =	sshll.u32 s28, $0x1;
	[dreg:$0x2] =	wrdreg s5  }
0xab: {  	[dreg:$0x3] =	wrdreg s6  }
0xac: {  	[dreg:$0x4] =	wrdreg $0xC0  }
0xad: {  	_ =	task [dreg:s9], $0x5FFFF  }
0xae: {  	[dreg:$0x1] =	wrdreg $0xFFFFFFFF  }
0xaf: {  	[dreg:$0x0] =	wrdreg $0x60  }
0xb0: {  	[dreg:$0x2] =	wrdreg s2  }
0xb1: {  	[dreg:$0x3] =	wrdreg s19  }
0xb2: {  	[dreg:$0x4] =	wrdreg s4  }
0xb3: {  	[dreg:$0x5] =	wrdreg $0x9  }
0xb4: {  	_ =	task.clear_ibuf [dreg:s9], $0x6FFFF;
	_ =	strace $0x90000046  }
0xb5: {  	s29 =	simm.s32 $0x9;
	_ =	strace $0x80000048  }
0xb6: {  	_ =	swait.ge [sflag:s29], $0x1  }
0xb7: {  	[sflag:s29] =	ssyncadd.s32 $0xFFFFFFFF  }
0xb8: {  	_ =	strace $0x90000048  }
0xb9: {  	_ =	sfence  }
0xba: {  	s30 =	sld [smem:$0x0];
	_ =	sdelay $0x2  }
0xbb: {  	s31 =	sshll.u32 s1, $0xD;
	s1 =	sshrl.u32 s1, $0x2  }
0xbc: {  	s3 =	sand.u32 $0x4000, s31;
	s1 =	sadd.s32 s1, s30  }
0xbd: {  	s0 =	sor.u32 s3, s0;
	s1 =	sshll.u32 s1, $0x11  }
0xbe: {  	s0 =	sor.u32 s1, s0  }
0xbf: {  	s0 =	sadd.s32 $0x8F2B, s0  }
0xc0: {  	[sflag:s0] =	ssyncadd.remote.s32 $0x1  }
0xc1: {  	_ =	sfence.sel $0xFFFF  }
0xc2: {  	[dreg:$0x0] =	wrdreg $0xFFFFFFFF;
	(pc) =	sbr.abs _section_cstart, $3  }
0xc3: {  	[dreg:$0x1] =	wrdreg $0xFFFFFFFF  }
0xc4: {  	_ =	task.clear_ibuf [dreg:s9], $0x2FFFF;
	_ =	strace $0x9FFFFFFF  }
0xc5: {  	(tm) =	ssettm $0x7FFFFFFF  }
tec
execute0_lowered:
.L_overlay_start_1:
0x0: {  	(tag) =	ssettag $0x1  }
0x1: {  	v1 =	vimm.s32 $0x1380;
	vm0 =	vcmask $0x300  }
0x2: {  	s1 =	rddreg [dreg:$0x0];
	v2 =	vimm.s32 $0x3380;
	vm1 =	vcmask $0x704;
	vm15 =	vcmask $0xB08  }
0x3: {  	s0 =	rddreg [dreg:$0x1];
	vm4 =	vcmask $0xF0C;
	v1 =	vsel vm0, $0x0, v1;
	v2 =	vsel vm0, $0x2000, v2  }
0x4: {  	s2 =	rddreg [dreg:$0x2];
	vm5 =	vcmask $0x1310;
	v1 =	vsel vm1, $0x80, v1;
	v2 =	vsel vm1, $0x2080, v2  }
0x5: {  	s4 =	srdreg.scid;
	s7 =	simm.s32 $0x0;
	s3 =	stileid.u32;
	vm6 =	vcmask $0x1714;
	v1 =	vsel vm15, $0x100, v1;
	v2 =	vsel vm15, $0x2100, v2  }
0x6: {  	v0 =	vlaneseq.u32;
	s8 =	simm.s32 $0x400;
	s9 =	simm.s32 $0x7A1400;
	s10 =	simm.s32 $0x200;
	v1 =	vsel vm4, $0x180, v1;
	v2 =	vsel vm4, $0x2180, v2  }
0x7: {  	vm7 =	vcmask $0x1B18;
	s11 =	simm.s32 $0x1200;
	s12 =	simm.s32 $0x2200;
	s13 =	simm.s32 $0x3200;
	v1 =	vsel vm5, $0x200, v1;
	v2 =	vsel vm5, $0x2200, v2  }
0x8: {  	vm8 =	vcmask $0x1F1C;
	s14 =	simm.s32 $0x4200;
	s15 =	simm.s32 $0x5200;
	s16 =	simm.s32 $0x6200;
	v1 =	vsel vm6, $0x280, v1;
	v2 =	vsel vm6, $0x2280, v2  }
0x9: {  	vm9 =	vcmask $0x2320;
	s17 =	simm.s32 $0x7200;
	s18 =	simm.s32 $0x8200;
	s19 =	simm.s32 $0x9200;
	v1 =	vsel vm7, $0x300, v1;
	v2 =	vsel vm7, $0x2300, v2  }
0xa: {  	vm10 =	vcmask $0x2724;
	s20 =	simm.s32 $0xA200;
	s21 =	simm.s32 $0xB200;
	s22 =	simm.s32 $0xC200;
	v1 =	vsel vm8, $0x380, v1;
	v2 =	vsel vm8, $0x2380, v2  }
0xb: {  	vm11 =	vcmask $0x2B28;
	s23 =	simm.s32 $0xD200;
	s24 =	simm.s32 $0xE200;
	s25 =	simm.s32 $0xF200;
	v1 =	vsel vm9, $0x1000, v1;
	v2 =	vsel vm9, $0x3000, v2  }
0xc: {  	vm12 =	vcmask $0x2F2C;
	s26 =	simm.s32 $0x1;
	s28 =	simm.s32 $0x10200;
	s4 =	sand.u32 $0x1, s4;
	v1 =	vsel vm10, $0x1080, v1;
	v2 =	vsel vm10, $0x3080, v2  }
0xd: {  	vm13 =	vcmask $0x3330;
	s6 =	sshll.u32 s3, $0xA;
	s5 =	ssub.s32 $0x2, s4;
	s4 =	sshll.u32 s4, $0x9;
	v1 =	vsel vm11, $0x1100, v1;
	v2 =	vsel vm11, $0x3100, v2  }
0xe: {  	vm14 =	vcmask $0x3734;
	s31 =	simm.s32 $0x0;
	[smem:$0x7FF] =	sst s7;
	s6 =	sor.u32 s4, s6;
	v1 =	vsel vm12, $0x1180, v1;
	v2 =	vsel vm12, $0x3180, v2  }
0xf: {  	v0 =	vmul.u32 $0x80, v0;
	_ =	strace $0x80000047;
	s30 =	sshrl.u32 s5, $0x1;
	s4 =	sshrl.u32 s6, $0x3;
	v1 =	vsel vm13, $0x1200, v1;
	v2 =	vsel vm13, $0x3200, v2  }
0x10: {  	vm15 =	vcmask $0x3B38;
	s7 =	ssub.s32 s5, s30;
	s5 =	sadd.s32 s2, s6;
	s1 =	sadd.s32 s1, s4;
	v3 =	vsel vm14, $0x1280, v1;
	v4 =	vsel vm14, $0x3280, v2  }
0x11: {  	s6 =	smax.u32 s7, $0x1;
	s7 =	simm.s32 $0x2;
	[dreg:$0x4] =	wrdreg s1;
	v1 =	vor.u32 $0x800, v0;
	v2 =	vsel vm15, $0x1300, v3;
	v3 =	vsel vm15, $0x3300, v4  }
.LBB2_1:
0x12: {  	s1 =	simm.s32 $0x0;
	s2 =	rddreg [dreg:$0x4]  }
0x13: {  	[tilespmem:s1], [sflag:$0x2] =	stream.linear.gather [hbm4b:s2+s1], $0x200, $0x38;
	[tilespmem:$0x14200] =	vst v63  }
0x14: {  	_ =	swait.ge [sflag:s7], $0x200  }
0x15: {  	[sflag:s7] =	ssyncset.done $0x0  }
0x16: {  	[sflag:s7] =	ssyncadd.s32 $0xFFFFFE00  }
0x17: {  	v4 =	vld [tilespmem:s1+$0x0];
	_ =	sdelay $0x4  }
0x18: {  	v5 =	vshrl.u32 v4, $0x7  }
0x19: {  	v5 =	vshll.u32 v5, $0x7  }
0x1a: {  	(v2sf) =	vpush v5, $0x0;
	_ =	sdelay $0x1  }
0x1b: {  	(v2sf) =	vpush v5, $0x1  }
0x1c: {  	(v2sf) =	vpush v5, $0x2;
	_ =	sdelay $0x1  }
0x1d: {  	(v2sf) =	vpush v5, $0x3;
	_ =	sdelay $0x1  }
0x1e: {  	(v2sf) =	vpush v5, $0x4;
	_ =	sdelay $0x1  }
0x1f: {  	(v2sf) =	vpush v5, $0x5;
	_ =	sdelay $0x1  }
0x20: {  	(v2sf) =	vpush v5, $0x6;
	_ =	sdelay $0x3  }
0x21: {  	s29 =	spop (v2sf);
	(v2sf) =	vpush v5, $0x7;
	_ =	sdelay $0x1  }
0x22: {  	s1 =	sand.u32 $0x1FFFFF80, s29;
	s30 =	spop (v2sf);
	(v2sf) =	vpush v5, $0x8  }
0x23: {  	s1 =	sadd.s32 s0, s1;
	s2 =	sand.u32 $0x1FFFFF80, s30;
	s3 =	spop (v2sf);
	(v2sf) =	vpush v5, $0x9  }
0x24: {  	[tilespmem:s10], [sflag:$0x1] =	stream.strided.gather [hbm4b:s1+s8], $0x1000, s9, s8, $0x38;
	[tilespmem:$0x14200] =	vst v63  }
0x25: {  	s2 =	sadd.s32 s0, s2;
	s1 =	sand.u32 $0x1FFFFF80, s3;
	s4 =	spop (v2sf);
	(v2sf) =	vpush v5, $0xA  }
0x26: {  	[tilespmem:s11], [sflag:$0x1] =	stream.strided.gather [hbm4b:s2+s8], $0x1000, s9, s8, $0x38;
	[tilespmem:$0x14200] =	vst v63  }
0x27: {  	s1 =	sadd.s32 s0, s1;
	s29 =	spop (v2sf);
	(v2sf) =	vpush v5, $0xB;
	s2 =	sand.u32 $0x1FFFFF80, s4  }
0x28: {  	[tilespmem:s12], [sflag:$0x1] =	stream.strided.gather [hbm4b:s1+s8], $0x1000, s9, s8, $0x38;
	[tilespmem:$0x14200] =	vst v63  }
0x29: {  	s30 =	spop (v2sf);
	(v2sf) =	vpush v5, $0xC;
	s2 =	sadd.s32 s0, s2;
	s1 =	sand.u32 $0x1FFFFF80, s29  }
0x2a: {  	[tilespmem:s13], [sflag:$0x1] =	stream.strided.gather [hbm4b:s2+s8], $0x1000, s9, s8, $0x38;
	[tilespmem:$0x14200] =	vst v63  }
0x2b: {  	s3 =	spop (v2sf);
	(v2sf) =	vpush v5, $0xD;
	s1 =	sadd.s32 s0, s1;
	s2 =	sand.u32 $0x1FFFFF80, s30  }
0x2c: {  	[tilespmem:s14], [sflag:$0x1] =	stream.strided.gather [hbm4b:s1+s8], $0x1000, s9, s8, $0x38;
	[tilespmem:$0x14200] =	vst v63  }
0x2d: {  	s2 =	sadd.s32 s0, s2;
	s1 =	sand.u32 $0x1FFFFF80, s3  }
0x2e: {  	[tilespmem:s15], [sflag:$0x1] =	stream.strided.gather [hbm4b:s2+s8], $0x1000, s9, s8, $0x38;
	[tilespmem:$0x14200] =	vst v63  }
0x2f: {  	s1 =	sadd.s32 s0, s1;
	s4 =	spop (v2sf);
	(v2sf) =	vpush v5, $0xE  }
0x30: {  	[tilespmem:s16], [sflag:$0x1] =	stream.strided.gather [hbm4b:s1+s8], $0x1000, s9, s8, $0x38;
	[tilespmem:$0x14200] =	vst v63  }
0x31: {  	s2 =	sand.u32 $0x1FFFFF80, s4;
	s29 =	spop (v2sf);
	(v2sf) =	vpush v5, $0xF  }
0x32: {  	s2 =	sadd.s32 s0, s2;
	s1 =	sand.u32 $0x1FFFFF80, s29;
	s30 =	spop (v2sf)  }
0x33: {  	[tilespmem:s17], [sflag:$0x1] =	stream.strided.gather [hbm4b:s2+s8], $0x1000, s9, s8, $0x38;
	[tilespmem:$0x14200] =	vst v63  }
0x34: {  	s1 =	sadd.s32 s0, s1;
	s2 =	sand.u32 $0x1FFFFF80, s30;
	s3 =	spop (v2sf)  }
0x35: {  	[tilespmem:s18], [sflag:$0x1] =	stream.strided.gather [hbm4b:s1+s8], $0x1000, s9, s8, $0x38;
	[tilespmem:$0x14200] =	vst v63  }
0x36: {  	s2 =	sadd.s32 s0, s2;
	s4 =	spop (v2sf);
	s1 =	sand.u32 $0x1FFFFF80, s3  }
0x37: {  	[tilespmem:s19], [sflag:$0x1] =	stream.strided.gather [hbm4b:s2+s8], $0x1000, s9, s8, $0x38;
	[tilespmem:$0x14200] =	vst v63  }
0x38: {  	s29 =	spop (v2sf);
	s1 =	sadd.s32 s0, s1;
	s2 =	sand.u32 $0x1FFFFF80, s4  }
0x39: {  	[tilespmem:s20], [sflag:$0x1] =	stream.strided.gather [hbm4b:s1+s8], $0x1000, s9, s8, $0x38;
	[tilespmem:$0x14200] =	vst v63  }
0x3a: {  	s30 =	spop (v2sf);
	s2 =	sadd.s32 s0, s2;
	s1 =	sand.u32 $0x1FFFFF80, s29  }
0x3b: {  	[tilespmem:s21], [sflag:$0x1] =	stream.strided.gather [hbm4b:s2+s8], $0x1000, s9, s8, $0x38;
	[tilespmem:$0x14200] =	vst v63  }
0x3c: {  	s1 =	sadd.s32 s0, s1;
	s2 =	sand.u32 $0x1FFFFF80, s30  }
0x3d: {  	[tilespmem:s22], [sflag:$0x1] =	stream.strided.gather [hbm4b:s1+s8], $0x1000, s9, s8, $0x38;
	[tilespmem:$0x14200] =	vst v63  }
0x3e: {  	s2 =	sadd.s32 s0, s2;
	s3 =	spop (v2sf)  }
0x3f: {  	[tilespmem:s23], [sflag:$0x1] =	stream.strided.gather [hbm4b:s2+s8], $0x1000, s9, s8, $0x38;
	[tilespmem:$0x14200] =	vst v63  }
0x40: {  	s1 =	sand.u32 $0x1FFFFF80, s3;
	s4 =	spop (v2sf)  }
0x41: {  	s1 =	sadd.s32 s0, s1;
	s2 =	sand.u32 $0x1FFFFF80, s4  }
0x42: {  	[tilespmem:s24], [sflag:$0x1] =	stream.strided.gather [hbm4b:s1+s8], $0x1000, s9, s8, $0x38;
	[tilespmem:$0x14200] =	vst v63  }
0x43: {  	s29 =	sadd.s32 s0, s2  }
0x44: {  	[tilespmem:s25], [sflag:$0x1] =	stream.strided.gather [hbm4b:s29+s8], $0x1000, s9, s8, $0x38;
	[tilespmem:$0x14200] =	vst v63  }
0x45: {  	_ =	swait.ge [sflag:s26], $0x1000  }
0x46: {  	[sflag:s26] =	ssyncset.done $0x0  }
0x47: {  	[sflag:s26] =	ssyncadd.s32 $0xFFFFF000  }
0x48: {  	_ =	swait.ge [sflag:s26], $0x1000  }
0x49: {  	[sflag:s26] =	ssyncset.done $0x0  }
0x4a: {  	[sflag:s26] =	ssyncadd.s32 $0xFFFFF000  }
0x4b: {  	_ =	swait.ge [sflag:s26], $0x1000  }
0x4c: {  	[sflag:s26] =	ssyncset.done $0x0  }
0x4d: {  	[sflag:s26] =	ssyncadd.s32 $0xFFFFF000  }
0x4e: {  	_ =	swait.ge [sflag:s26], $0x1000  }
0x4f: {  	[sflag:s26] =	ssyncset.done $0x0  }
0x50: {  	[sflag:s26] =	ssyncadd.s32 $0xFFFFF000  }
0x51: {  	_ =	swait.ge [sflag:s26], $0x1000  }
0x52: {  	[sflag:s26] =	ssyncset.done $0x0  }
0x53: {  	[sflag:s26] =	ssyncadd.s32 $0xFFFFF000  }
0x54: {  	_ =	swait.ge [sflag:s26], $0x1000  }
0x55: {  	[sflag:s26] =	ssyncset.done $0x0  }
0x56: {  	[sflag:s26] =	ssyncadd.s32 $0xFFFFF000  }
0x57: {  	_ =	swait.ge [sflag:s26], $0x1000  }
0x58: {  	[sflag:s26] =	ssyncset.done $0x0  }
0x59: {  	[sflag:s26] =	ssyncadd.s32 $0xFFFFF000  }
0x5a: {  	_ =	swait.ge [sflag:s26], $0x1000  }
0x5b: {  	[sflag:s26] =	ssyncset.done $0x0  }
0x5c: {  	[sflag:s26] =	ssyncadd.s32 $0xFFFFF000  }
0x5d: {  	_ =	swait.ge [sflag:s26], $0x1000  }
0x5e: {  	[sflag:s26] =	ssyncset.done $0x0  }
0x5f: {  	[sflag:s26] =	ssyncadd.s32 $0xFFFFF000  }
0x60: {  	_ =	swait.ge [sflag:s26], $0x1000  }
0x61: {  	[sflag:s26] =	ssyncset.done $0x0  }
0x62: {  	[sflag:s26] =	ssyncadd.s32 $0xFFFFF000  }
0x63: {  	_ =	swait.ge [sflag:s26], $0x1000  }
0x64: {  	[sflag:s26] =	ssyncset.done $0x0  }
0x65: {  	[sflag:s26] =	ssyncadd.s32 $0xFFFFF000  }
0x66: {  	_ =	swait.ge [sflag:s26], $0x1000  }
0x67: {  	[sflag:s26] =	ssyncset.done $0x0  }
0x68: {  	[sflag:s26] =	ssyncadd.s32 $0xFFFFF000  }
0x69: {  	_ =	swait.ge [sflag:s26], $0x1000  }
0x6a: {  	[sflag:s26] =	ssyncset.done $0x0  }
0x6b: {  	[sflag:s26] =	ssyncadd.s32 $0xFFFFF000  }
0x6c: {  	_ =	swait.ge [sflag:s26], $0x1000  }
0x6d: {  	v4 =	vand.u32 $0x7F, v4;
	[sflag:s26] =	ssyncset.done $0x0  }
0x6e: {  	v5 =	vbroadcast v4, $0x0;
	[sflag:s26] =	ssyncadd.s32 $0xFFFFF000  }
0x6f: {  	_ =	swait.ge [sflag:s26], $0x1000  }
0x70: {  	v6 =	vor.u32 v0, v5;
	s30 =	simm.s32 $0x0;
	[sflag:s26] =	ssyncset.done $0x0  }
0x71: {  	v5 =	vor.u32 v1, v5;
	v7 =	vmov s30;
	[sflag:s26] =	ssyncadd.s32 $0xFFFFF000  }
0x72: {  	v8 =	vshll.u32 v7, $0x3;
	_ =	swait.ge [sflag:s26], $0x1000  }
0x73: {  	v7 =	vand.u32 $0x70, v7;
	v8 =	vand.u32 $0xC00, v8;
	[sflag:s26] =	ssyncset.done $0x0  }
0x74: {  	v7 =	vor.u32 v7, v8;
	[sflag:s26] =	ssyncadd.s32 $0xFFFFF000  }
0x75: {  	v31 =	vbroadcast v4, $0x1;
	v9 =	vor.u32 v2, v7;
	v6 =	vld.idx.msk [tilespmem:v6+s10+$0x0], $0xffff  }
0x76: {  	v7 =	vor.u32 v3, v7;
	v5 =	vld.idx.msk [tilespmem:v5+s10+$0x0], $0xffff  }
0x77: {  	v10 =	vor.u32 v0, v31;
	s2 =	simm.s32 $0x1  }
0x78: {  	v8 =	vor.u32 v1, v31;
	v11 =	vmov s2  }
0x79: {  	v12 =	vshll.u32 v11, $0x3  }
0x7a: {  	v32 =	vand.u32 $0xC00, v12;
	[tilespmem:v9+s28+$0x0] =	vst.idx.msk $0xffff, v6;
	v6 =	vand.u32 $0x71, v11  }
0x7b: {  	[tilespmem:v7+s28+$0x0] =	vst.idx.msk $0xffff, v5;
	v5 =	vor.u32 v6, v32  }
0x7c: {  	v6 =	vbroadcast v4, $0x2;
	v7 =	vld.idx.msk [tilespmem:v10+s11+$0x0], $0xffff;
	v9 =	vor.u32 v2, v5  }
0x7d: {  	v8 =	vld.idx.msk [tilespmem:v8+s11+$0x0], $0xffff;
	v5 =	vor.u32 v3, v5  }
0x7e: {  	s3 =	simm.s32 $0x2;
	v33 =	vor.u32 v0, v6  }
0x7f: {  	v34 =	vmov s3;
	v6 =	vor.u32 v1, v6  }
0x80: {  	v35 =	vshll.u32 v34, $0x3  }
0x81: {  	v36 =	vand.u32 $0xC00, v35;
	[tilespmem:v9+s28+$0x0] =	vst.idx.msk $0xffff, v7;
	v7 =	vand.u32 $0x72, v34  }
0x82: {  	[tilespmem:v5+s28+$0x0] =	vst.idx.msk $0xffff, v8;
	v5 =	vor.u32 v7, v36  }
0x83: {  	v7 =	vbroadcast v4, $0x3;
	v8 =	vld.idx.msk [tilespmem:v33+s12+$0x0], $0xffff;
	v9 =	vor.u32 v2, v5  }
0x84: {  	v6 =	vld.idx.msk [tilespmem:v6+s12+$0x0], $0xffff;
	v5 =	vor.u32 v3, v5  }
0x85: {  	s4 =	simm.s32 $0x3;
	v37 =	vor.u32 v0, v7  }
0x86: {  	v38 =	vmov s4;
	v7 =	vor.u32 v1, v7  }
0x87: {  	v39 =	vshll.u32 v38, $0x3  }
0x88: {  	v40 =	vand.u32 $0x73, v38;
	v41 =	vand.u32 $0xC00, v39;
	[tilespmem:v9+s28+$0x0] =	vst.idx.msk $0xffff, v8  }
0x89: {  	[tilespmem:v5+s28+$0x0] =	vst.idx.msk $0xffff, v6;
	v5 =	vor.u32 v40, v41  }
0x8a: {  	v6 =	vbroadcast v4, $0x4;
	v42 =	vld.idx.msk [tilespmem:v37+s13+$0x0], $0xffff;
	v9 =	vor.u32 v2, v5  }
0x8b: {  	v7 =	vld.idx.msk [tilespmem:v7+s13+$0x0], $0xffff;
	v5 =	vor.u32 v3, v5  }
0x8c: {  	s29 =	simm.s32 $0x4;
	v43 =	vor.u32 v0, v6  }
0x8d: {  	v44 =	vmov s29;
	v6 =	vor.u32 v1, v6  }
0x8e: {  	v45 =	vshll.u32 v44, $0x3  }
0x8f: {  	v46 =	vand.u32 $0x74, v44;
	v47 =	vand.u32 $0xC00, v45;
	[tilespmem:v9+s28+$0x0] =	vst.idx.msk $0xffff, v42  }
0x90: {  	[tilespmem:v5+s28+$0x0] =	vst.idx.msk $0xffff, v7;
	v5 =	vor.u32 v46, v47  }
0x91: {  	v7 =	vbroadcast v4, $0x5;
	v48 =	vld.idx.msk [tilespmem:v43+s14+$0x0], $0xffff;
	v9 =	vor.u32 v2, v5  }
0x92: {  	v6 =	vld.idx.msk [tilespmem:v6+s14+$0x0], $0xffff;
	v5 =	vor.u32 v3, v5  }
0x93: {  	s30 =	simm.s32 $0x5;
	v49 =	vor.u32 v0, v7  }
0x94: {  	v50 =	vmov s30;
	v7 =	vor.u32 v1, v7  }
0x95: {  	v51 =	vshll.u32 v50, $0x3  }
0x96: {  	v52 =	vand.u32 $0x75, v50;
	v53 =	vand.u32 $0xC00, v51;
	[tilespmem:v9+s28+$0x0] =	vst.idx.msk $0xffff, v48  }
0x97: {  	[tilespmem:v5+s28+$0x0] =	vst.idx.msk $0xffff, v6;
	v5 =	vor.u32 v52, v53  }
0x98: {  	v6 =	vbroadcast v4, $0x6;
	v54 =	vld.idx.msk [tilespmem:v49+s15+$0x0], $0xffff;
	v9 =	vor.u32 v2, v5  }
0x99: {  	v7 =	vld.idx.msk [tilespmem:v7+s15+$0x0], $0xffff;
	v5 =	vor.u32 v3, v5  }
0x9a: {  	s2 =	simm.s32 $0x6;
	v55 =	vor.u32 v0, v6  }
0x9b: {  	v56 =	vmov s2;
	v6 =	vor.u32 v1, v6  }
0x9c: {  	v57 =	vshll.u32 v56, $0x3  }
0x9d: {  	v58 =	vand.u32 $0x76, v56;
	v59 =	vand.u32 $0xC00, v57;
	[tilespmem:v9+s28+$0x0] =	vst.idx.msk $0xffff, v54  }
0x9e: {  	[tilespmem:v5+s28+$0x0] =	vst.idx.msk $0xffff, v7;
	v5 =	vor.u32 v58, v59  }
0x9f: {  	v7 =	vbroadcast v4, $0x7;
	v60 =	vld.idx.msk [tilespmem:v55+s16+$0x0], $0xffff;
	v9 =	vor.u32 v2, v5  }
0xa0: {  	v6 =	vld.idx.msk [tilespmem:v6+s16+$0x0], $0xffff;
	v5 =	vor.u32 v3, v5  }
0xa1: {  	s3 =	simm.s32 $0x7;
	v61 =	vor.u32 v0, v7  }
0xa2: {  	v62 =	vmov s3;
	v7 =	vor.u32 v1, v7  }
0xa3: {  	v63 =	vshll.u32 v62, $0x3  }
0xa4: {  	v16 =	vand.u32 $0x77, v62;
	v17 =	vand.u32 $0xC00, v63;
	[tilespmem:v9+s28+$0x0] =	vst.idx.msk $0xffff, v60  }
0xa5: {  	[tilespmem:v5+s28+$0x0] =	vst.idx.msk $0xffff, v6;
	v5 =	vor.u32 v16, v17  }
0xa6: {  	v6 =	vbroadcast v4, $0x8;
	v18 =	vld.idx.msk [tilespmem:v61+s17+$0x0], $0xffff;
	v9 =	vor.u32 v2, v5  }
0xa7: {  	v7 =	vld.idx.msk [tilespmem:v7+s17+$0x0], $0xffff;
	v5 =	vor.u32 v3, v5  }
0xa8: {  	s4 =	simm.s32 $0x8;
	v19 =	vor.u32 v0, v6  }
0xa9: {  	v20 =	vmov s4;
	v6 =	vor.u32 v1, v6  }
0xaa: {  	v21 =	vshll.u32 v20, $0x3  }
0xab: {  	v22 =	vand.u32 $0x78, v20;
	v23 =	vand.u32 $0xC00, v21;
	[tilespmem:v9+s28+$0x0] =	vst.idx.msk $0xffff, v18  }
0xac: {  	[tilespmem:v5+s28+$0x0] =	vst.idx.msk $0xffff, v7;
	v5 =	vor.u32 v22, v23  }
0xad: {  	v7 =	vbroadcast v4, $0x9;
	v24 =	vld.idx.msk [tilespmem:v19+s18+$0x0], $0xffff;
	v9 =	vor.u32 v2, v5  }
0xae: {  	v6 =	vld.idx.msk [tilespmem:v6+s18+$0x0], $0xffff;
	v5 =	vor.u32 v3, v5  }
0xaf: {  	s29 =	simm.s32 $0x9;
	v25 =	vor.u32 v0, v7  }
0xb0: {  	v26 =	vmov s29;
	v7 =	vor.u32 v1, v7  }
0xb1: {  	v27 =	vshll.u32 v26, $0x3  }
0xb2: {  	v28 =	vand.u32 $0x79, v26;
	v29 =	vand.u32 $0xC00, v27;
	[tilespmem:v9+s28+$0x0] =	vst.idx.msk $0xffff, v24  }
0xb3: {  	[tilespmem:v5+s28+$0x0] =	vst.idx.msk $0xffff, v6;
	v5 =	vor.u32 v28, v29  }
0xb4: {  	v6 =	vbroadcast v4, $0xA;
	v30 =	vld.idx.msk [tilespmem:v25+s19+$0x0], $0xffff;
	v9 =	vor.u32 v2, v5  }
0xb5: {  	v7 =	vld.idx.msk [tilespmem:v7+s19+$0x0], $0xffff;
	v5 =	vor.u32 v3, v5  }
0xb6: {  	s30 =	simm.s32 $0xA;
	v31 =	vor.u32 v0, v6  }
0xb7: {  	v32 =	vmov s30;
	v6 =	vor.u32 v1, v6  }
0xb8: {  	v33 =	vshll.u32 v32, $0x3  }
0xb9: {  	v34 =	vand.u32 $0x7A, v32;
	v35 =	vand.u32 $0xC00, v33;
	[tilespmem:v9+s28+$0x0] =	vst.idx.msk $0xffff, v30  }
0xba: {  	[tilespmem:v5+s28+$0x0] =	vst.idx.msk $0xffff, v7;
	v5 =	vor.u32 v34, v35  }
0xbb: {  	v7 =	vbroadcast v4, $0xB;
	v36 =	vld.idx.msk [tilespmem:v31+s20+$0x0], $0xffff;
	v9 =	vor.u32 v2, v5  }
0xbc: {  	v6 =	vld.idx.msk [tilespmem:v6+s20+$0x0], $0xffff;
	v5 =	vor.u32 v3, v5  }
0xbd: {  	s2 =	simm.s32 $0xB;
	v37 =	vor.u32 v0, v7  }
0xbe: {  	v38 =	vmov s2;
	v7 =	vor.u32 v1, v7  }
0xbf: {  	v39 =	vshll.u32 v38, $0x3  }
0xc0: {  	v40 =	vand.u32 $0x7B, v38;
	v41 =	vand.u32 $0xC00, v39;
	[tilespmem:v9+s28+$0x0] =	vst.idx.msk $0xffff, v36  }
0xc1: {  	[tilespmem:v5+s28+$0x0] =	vst.idx.msk $0xffff, v6;
	v5 =	vor.u32 v40, v41  }
0xc2: {  	v6 =	vbroadcast v4, $0xC;
	v42 =	vld.idx.msk [tilespmem:v37+s21+$0x0], $0xffff;
	v9 =	vor.u32 v2, v5  }
0xc3: {  	v7 =	vld.idx.msk [tilespmem:v7+s21+$0x0], $0xffff;
	v5 =	vor.u32 v3, v5  }
0xc4: {  	s3 =	simm.s32 $0xC;
	v43 =	vor.u32 v0, v6  }
0xc5: {  	v44 =	vmov s3;
	v6 =	vor.u32 v1, v6  }
0xc6: {  	v45 =	vshll.u32 v44, $0x3  }
0xc7: {  	v46 =	vand.u32 $0x7C, v44;
	v47 =	vand.u32 $0xC00, v45;
	[tilespmem:v9+s28+$0x0] =	vst.idx.msk $0xffff, v42  }
0xc8: {  	[tilespmem:v5+s28+$0x0] =	vst.idx.msk $0xffff, v7;
	v5 =	vor.u32 v46, v47  }
0xc9: {  	v7 =	vbroadcast v4, $0xD;
	v48 =	vld.idx.msk [tilespmem:v43+s22+$0x0], $0xffff;
	v9 =	vor.u32 v2, v5  }
0xca: {  	v6 =	vld.idx.msk [tilespmem:v6+s22+$0x0], $0xffff;
	v5 =	vor.u32 v3, v5  }
0xcb: {  	s4 =	simm.s32 $0xD;
	v49 =	vor.u32 v0, v7  }
0xcc: {  	v50 =	vmov s4;
	v7 =	vor.u32 v1, v7  }
0xcd: {  	v51 =	vshll.u32 v50, $0x3  }
0xce: {  	v52 =	vand.u32 $0x7D, v50;
	v53 =	vand.u32 $0xC00, v51;
	[tilespmem:v9+s28+$0x0] =	vst.idx.msk $0xffff, v48  }
0xcf: {  	[tilespmem:v5+s28+$0x0] =	vst.idx.msk $0xffff, v6;
	v5 =	vor.u32 v52, v53  }
0xd0: {  	v6 =	vbroadcast v4, $0xE;
	v54 =	vld.idx.msk [tilespmem:v49+s23+$0x0], $0xffff;
	v9 =	vor.u32 v2, v5  }
0xd1: {  	v7 =	vld.idx.msk [tilespmem:v7+s23+$0x0], $0xffff;
	v5 =	vor.u32 v3, v5  }
0xd2: {  	s29 =	simm.s32 $0xE;
	v55 =	vor.u32 v0, v6  }
0xd3: {  	v56 =	vmov s29;
	v6 =	vor.u32 v1, v6  }
0xd4: {  	v57 =	vshll.u32 v56, $0x3  }
0xd5: {  	v58 =	vand.u32 $0x7E, v56;
	v59 =	vand.u32 $0xC00, v57;
	[tilespmem:v9+s28+$0x0] =	vst.idx.msk $0xffff, v54  }
0xd6: {  	[tilespmem:v5+s28+$0x0] =	vst.idx.msk $0xffff, v7;
	v5 =	vor.u32 v58, v59  }
0xd7: {  	v4 =	vbroadcast v4, $0xF;
	v7 =	vld.idx.msk [tilespmem:v55+s24+$0x0], $0xffff;
	v8 =	vor.u32 v2, v5  }
0xd8: {  	v6 =	vld.idx.msk [tilespmem:v6+s24+$0x0], $0xffff;
	v5 =	vor.u32 v3, v5  }
0xd9: {  	s30 =	simm.s32 $0xF;
	v60 =	vor.u32 v0, v4  }
0xda: {  	v61 =	vmov s30  }
0xdb: {  	v62 =	vshll.u32 v61, $0x3;
	v4 =	vor.u32 v1, v4  }
0xdc: {  	v63 =	vand.u32 $0xC00, v62;
	[tilespmem:v8+s28+$0x0] =	vst.idx.msk $0xffff, v7;
	v7 =	vand.u32 $0x7F, v61  }
0xdd: {  	[tilespmem:v5+s28+$0x0] =	vst.idx.msk $0xffff, v6;
	v5 =	vor.u32 v7, v63  }
0xde: {  	v6 =	vld.idx.msk [tilespmem:v60+s25+$0x0], $0xffff;
	v7 =	vor.u32 v2, v5;
	_ =	sdelay $0x1  }
0xdf: {  	v4 =	vld.idx.msk [tilespmem:v4+s25+$0x0], $0xffff;
	v5 =	vor.u32 v3, v5;
	_ =	sdelay $0x2  }
0xe0: {  	s1 =	simm.s32 $0x1F;
	s2 =	simm.s32 $0x0;
	[tilespmem:v7+s28+$0x0] =	vst.idx.msk $0xffff, v6  }
.LBB2_2:
0xe1: {  	p0 =	sne.s32 s1, $0x1FF  }
0xe2: {  	[tilespmem:v5+s28+$0x0] =	vst.idx.msk $0xffff, v4;
	s2 =	sadd.s32 $0x10, s2;
	s29 =	smov.u32 s1;
	s1 =	sadd.s32 $0x10, s1  }
0xe3: {  	v4 =	vld [tilespmem:s2+$0x0];
	_ =	sdelay $0x4  }
0xe4: {  	v5 =	vshrl.u32 v4, $0x7;
	v4 =	vand.u32 $0x7F, v4  }
0xe5: {  	v20 =	vshll.u32 v5, $0x7;
	v19 =	vbroadcast v4, $0x0;
	v18 =	vbroadcast v4, $0x1  }
0xe6: {  	v17 =	vbroadcast v4, $0x2;
	v16 =	vbroadcast v4, $0x3;
	(v2sf) =	vpush v20, $0x0  }
0xe7: {  	v15 =	vbroadcast v4, $0x4;
	v14 =	vbroadcast v4, $0x5;
	(v2sf) =	vpush v20, $0x1  }
0xe8: {  	v13 =	vbroadcast v4, $0x6;
	v12 =	vbroadcast v4, $0x7;
	(v2sf) =	vpush v20, $0x2  }
0xe9: {  	v11 =	vbroadcast v4, $0x8;
	v10 =	vbroadcast v4, $0x9  }
0xea: {  	v9 =	vbroadcast v4, $0xA;
	v8 =	vbroadcast v4, $0xB;
	(v2sf) =	vpush v20, $0x3  }
0xeb: {  	v7 =	vbroadcast v4, $0xC;
	v6 =	vbroadcast v4, $0xD  }
0xec: {  	v5 =	vbroadcast v4, $0xE;
	v4 =	vbroadcast v4, $0xF;
	(v2sf) =	vpush v20, $0x4;
	_ =	sdelay $0x1  }
0xed: {  	(v2sf) =	vpush v20, $0x5;
	_ =	sdelay $0x1  }
0xee: {  	(v2sf) =	vpush v20, $0x6;
	_ =	sdelay $0x1  }
0xef: {  	(v2sf) =	vpush v20, $0x7;
	_ =	sdelay $0x1  }
0xf0: {  	(v2sf) =	vpush v20, $0x8  }
0xf1: {  	s30 =	spop (v2sf)  }
0xf2: {  	s30 =	sand.u32 $0x1FFFFF80, s30;
	s3 =	spop (v2sf);
	(v2sf) =	vpush v20, $0x9  }
0xf3: {  	s30 =	sadd.s32 s0, s30;
	s3 =	sand.u32 $0x1FFFFF80, s3;
	s4 =	spop (v2sf)  }
0xf4: {  	[tilespmem:s10], [sflag:$0x1] =	stream.strided.gather [hbm4b:s30+s8], $0x1000, s9, s8, $0x38;
	(v2sf) =	vpush v20, $0xA;
	[tilespmem:$0x14200] =	vst v63  }
0xf5: {  	s3 =	sadd.s32 s0, s3;
	s4 =	sand.u32 $0x1FFFFF80, s4;
	s30 =	spop (v2sf)  }
0xf6: {  	[tilespmem:s11], [sflag:$0x1] =	stream.strided.gather [hbm4b:s3+s8], $0x1000, s9, s8, $0x38;
	(v2sf) =	vpush v20, $0xB;
	[tilespmem:$0x14200] =	vst v63  }
0xf7: {  	s3 =	sadd.s32 s0, s4;
	s4 =	sand.u32 $0x1FFFFF80, s30;
	s30 =	spop (v2sf)  }
0xf8: {  	[tilespmem:s12], [sflag:$0x1] =	stream.strided.gather [hbm4b:s3+s8], $0x1000, s9, s8, $0x38;
	(v2sf) =	vpush v20, $0xC;
	[tilespmem:$0x14200] =	vst v63  }
0xf9: {  	s3 =	sadd.s32 s0, s4;
	s4 =	sand.u32 $0x1FFFFF80, s30;
	s30 =	spop (v2sf)  }
0xfa: {  	[tilespmem:s13], [sflag:$0x1] =	stream.strided.gather [hbm4b:s3+s8], $0x1000, s9, s8, $0x38;
	(v2sf) =	vpush v20, $0xD;
	[tilespmem:$0x14200] =	vst v63  }
0xfb: {  	s3 =	sadd.s32 s0, s4;
	s4 =	sand.u32 $0x1FFFFF80, s30;
	s30 =	spop (v2sf)  }
0xfc: {  	[tilespmem:s14], [sflag:$0x1] =	stream.strided.gather [hbm4b:s3+s8], $0x1000, s9, s8, $0x38;
	(v2sf) =	vpush v20, $0xE;
	[tilespmem:$0x14200] =	vst v63  }
0xfd: {  	s3 =	sadd.s32 s0, s4;
	s4 =	sand.u32 $0x1FFFFF80, s30;
	s30 =	spop (v2sf)  }
0xfe: {  	[tilespmem:s15], [sflag:$0x1] =	stream.strided.gather [hbm4b:s3+s8], $0x1000, s9, s8, $0x38;
	(v2sf) =	vpush v20, $0xF;
	[tilespmem:$0x14200] =	vst v63  }
0xff: {  	s3 =	sadd.s32 s0, s4;
	s4 =	sand.u32 $0x1FFFFF80, s30;
	s30 =	spop (v2sf)  }
0x100: {  	[tilespmem:s16], [sflag:$0x1] =	stream.strided.gather [hbm4b:s3+s8], $0x1000, s9, s8, $0x38;
	[tilespmem:$0x14200] =	vst v63  }
0x101: {  	s3 =	sadd.s32 s0, s4;
	s4 =	sand.u32 $0x1FFFFF80, s30;
	s30 =	spop (v2sf)  }
0x102: {  	[tilespmem:s17], [sflag:$0x1] =	stream.strided.gather [hbm4b:s3+s8], $0x1000, s9, s8, $0x38;
	[tilespmem:$0x14200] =	vst v63  }
0x103: {  	s3 =	sadd.s32 s0, s4;
	s4 =	sand.u32 $0x1FFFFF80, s30;
	s30 =	spop (v2sf)  }
0x104: {  	[tilespmem:s18], [sflag:$0x1] =	stream.strided.gather [hbm4b:s3+s8], $0x1000, s9, s8, $0x38;
	[tilespmem:$0x14200] =	vst v63  }
0x105: {  	s3 =	sadd.s32 s0, s4;
	s4 =	sand.u32 $0x1FFFFF80, s30;
	s30 =	spop (v2sf)  }
0x106: {  	[tilespmem:s19], [sflag:$0x1] =	stream.strided.gather [hbm4b:s3+s8], $0x1000, s9, s8, $0x38;
	[tilespmem:$0x14200] =	vst v63  }
0x107: {  	s3 =	sadd.s32 s0, s4;
	s4 =	sand.u32 $0x1FFFFF80, s30;
	s30 =	spop (v2sf)  }
0x108: {  	[tilespmem:s20], [sflag:$0x1] =	stream.strided.gather [hbm4b:s3+s8], $0x1000, s9, s8, $0x38;
	[tilespmem:$0x14200] =	vst v63  }
0x109: {  	s3 =	sadd.s32 s0, s4;
	s4 =	sand.u32 $0x1FFFFF80, s30;
	s30 =	spop (v2sf)  }
0x10a: {  	[tilespmem:s21], [sflag:$0x1] =	stream.strided.gather [hbm4b:s3+s8], $0x1000, s9, s8, $0x38;
	[tilespmem:$0x14200] =	vst v63  }
0x10b: {  	s3 =	sadd.s32 s0, s4;
	s4 =	sand.u32 $0x1FFFFF80, s30;
	s30 =	spop (v2sf)  }
0x10c: {  	[tilespmem:s22], [sflag:$0x1] =	stream.strided.gather [hbm4b:s3+s8], $0x1000, s9, s8, $0x38;
	[tilespmem:$0x14200] =	vst v63  }
0x10d: {  	s3 =	sadd.s32 s0, s4;
	s4 =	sand.u32 $0x1FFFFF80, s30;
	s30 =	spop (v2sf)  }
0x10e: {  	[tilespmem:s23], [sflag:$0x1] =	stream.strided.gather [hbm4b:s3+s8], $0x1000, s9, s8, $0x38;
	[tilespmem:$0x14200] =	vst v63  }
0x10f: {  	s3 =	sadd.s32 s0, s4;
	s4 =	sand.u32 $0x1FFFFF80, s30  }
0x110: {  	[tilespmem:s24], [sflag:$0x1] =	stream.strided.gather [hbm4b:s3+s8], $0x1000, s9, s8, $0x38;
	[tilespmem:$0x14200] =	vst v63  }
0x111: {  	s3 =	sadd.s32 s0, s4  }
0x112: {  	[tilespmem:s25], [sflag:$0x1] =	stream.strided.gather [hbm4b:s3+s8], $0x1000, s9, s8, $0x38;
	[tilespmem:$0x14200] =	vst v63  }
0x113: {  	_ =	swait.ge [sflag:s26], $0x1000  }
0x114: {  	[sflag:s26] =	ssyncset.done $0x0  }
0x115: {  	[sflag:s26] =	ssyncadd.s32 $0xFFFFF000  }
0x116: {  	_ =	swait.ge [sflag:s26], $0x1000  }
0x117: {  	[sflag:s26] =	ssyncset.done $0x0  }
0x118: {  	[sflag:s26] =	ssyncadd.s32 $0xFFFFF000  }
0x119: {  	_ =	swait.ge [sflag:s26], $0x1000  }
0x11a: {  	[sflag:s26] =	ssyncset.done $0x0  }
0x11b: {  	[sflag:s26] =	ssyncadd.s32 $0xFFFFF000  }
0x11c: {  	_ =	swait.ge [sflag:s26], $0x1000  }
0x11d: {  	[sflag:s26] =	ssyncset.done $0x0  }
0x11e: {  	[sflag:s26] =	ssyncadd.s32 $0xFFFFF000  }
0x11f: {  	_ =	swait.ge [sflag:s26], $0x1000  }
0x120: {  	[sflag:s26] =	ssyncset.done $0x0  }
0x121: {  	[sflag:s26] =	ssyncadd.s32 $0xFFFFF000  }
0x122: {  	_ =	swait.ge [sflag:s26], $0x1000  }
0x123: {  	[sflag:s26] =	ssyncset.done $0x0  }
0x124: {  	[sflag:s26] =	ssyncadd.s32 $0xFFFFF000  }
0x125: {  	_ =	swait.ge [sflag:s26], $0x1000  }
0x126: {  	[sflag:s26] =	ssyncset.done $0x0  }
0x127: {  	[sflag:s26] =	ssyncadd.s32 $0xFFFFF000  }
0x128: {  	_ =	swait.ge [sflag:s26], $0x1000  }
0x129: {  	[sflag:s26] =	ssyncset.done $0x0  }
0x12a: {  	[sflag:s26] =	ssyncadd.s32 $0xFFFFF000  }
0x12b: {  	_ =	swait.ge [sflag:s26], $0x1000  }
0x12c: {  	[sflag:s26] =	ssyncset.done $0x0  }
0x12d: {  	[sflag:s26] =	ssyncadd.s32 $0xFFFFF000  }
0x12e: {  	_ =	swait.ge [sflag:s26], $0x1000  }
0x12f: {  	[sflag:s26] =	ssyncset.done $0x0  }
0x130: {  	[sflag:s26] =	ssyncadd.s32 $0xFFFFF000  }
0x131: {  	_ =	swait.ge [sflag:s26], $0x1000  }
0x132: {  	[sflag:s26] =	ssyncset.done $0x0  }
0x133: {  	[sflag:s26] =	ssyncadd.s32 $0xFFFFF000  }
0x134: {  	_ =	swait.ge [sflag:s26], $0x1000  }
0x135: {  	[sflag:s26] =	ssyncset.done $0x0  }
0x136: {  	[sflag:s26] =	ssyncadd.s32 $0xFFFFF000  }
0x137: {  	_ =	swait.ge [sflag:s26], $0x1000  }
0x138: {  	[sflag:s26] =	ssyncset.done $0x0  }
0x139: {  	[sflag:s26] =	ssyncadd.s32 $0xFFFFF000  }
0x13a: {  	_ =	swait.ge [sflag:s26], $0x1000  }
0x13b: {  	[sflag:s26] =	ssyncset.done $0x0  }
0x13c: {  	[sflag:s26] =	ssyncadd.s32 $0xFFFFF000  }
0x13d: {  	_ =	swait.ge [sflag:s26], $0x1000  }
0x13e: {  	v20 =	vor.u32 v0, v19;
	[sflag:s26] =	ssyncset.done $0x0  }
0x13f: {  	v19 =	vor.u32 v1, v19;
	s3 =	sadd.s32 $0xFFFFFFF1, s29;
	[sflag:s26] =	ssyncadd.s32 $0xFFFFF000  }
0x140: {  	v21 =	vmov s3;
	_ =	swait.ge [sflag:s26], $0x1000  }
0x141: {  	v22 =	vshll.u32 v21, $0x3;
	[sflag:s26] =	ssyncset.done $0x0  }
0x142: {  	v21 =	vand.u32 $0x70, v21;
	v22 =	vand.u32 $0xC00, v22;
	[sflag:s26] =	ssyncadd.s32 $0xFFFFF000  }
0x143: {  	v21 =	vor.u32 v21, v22;
	v20 =	vld.idx.msk [tilespmem:v20+s10+$0x0], $0xffff  }
0x144: {  	v22 =	vor.u32 v2, v21;
	v19 =	vld.idx.msk [tilespmem:v19+s10+$0x0], $0xffff  }
0x145: {  	v21 =	vor.u32 v3, v21  }
0x146: {  	v23 =	vor.u32 v0, v18  }
0x147: {  	v18 =	vor.u32 v1, v18;
	s3 =	sadd.s32 $0xFFFFFFF2, s29  }
0x148: {  	v24 =	vmov s3  }
0x149: {  	[tilespmem:v22+s28+$0x0] =	vst.idx.msk $0xffff, v20;
	v20 =	vshll.u32 v24, $0x3  }
0x14a: {  	[tilespmem:v21+s28+$0x0] =	vst.idx.msk $0xffff, v19;
	v19 =	vand.u32 $0x71, v24;
	v20 =	vand.u32 $0xC00, v20  }
0x14b: {  	v21 =	vld.idx.msk [tilespmem:v23+s11+$0x0], $0xffff;
	v19 =	vor.u32 v19, v20  }
0x14c: {  	v18 =	vld.idx.msk [tilespmem:v18+s11+$0x0], $0xffff;
	v20 =	vor.u32 v2, v19  }
0x14d: {  	v19 =	vor.u32 v3, v19  }
0x14e: {  	v22 =	vor.u32 v0, v17  }
0x14f: {  	s3 =	sadd.s32 $0xFFFFFFF3, s29;
	v17 =	vor.u32 v1, v17  }
0x150: {  	v23 =	vmov s3  }
0x151: {  	[tilespmem:v20+s28+$0x0] =	vst.idx.msk $0xffff, v21;
	v20 =	vshll.u32 v23, $0x3  }
0x152: {  	[tilespmem:v19+s28+$0x0] =	vst.idx.msk $0xffff, v18;
	v18 =	vand.u32 $0x72, v23;
	v19 =	vand.u32 $0xC00, v20  }
0x153: {  	v20 =	vld.idx.msk [tilespmem:v22+s12+$0x0], $0xffff;
	v18 =	vor.u32 v18, v19  }
0x154: {  	v17 =	vld.idx.msk [tilespmem:v17+s12+$0x0], $0xffff;
	v19 =	vor.u32 v2, v18  }
0x155: {  	v18 =	vor.u32 v3, v18  }
0x156: {  	v21 =	vor.u32 v0, v16  }
0x157: {  	s3 =	sadd.s32 $0xFFFFFFF4, s29;
	v16 =	vor.u32 v1, v16  }
0x158: {  	v22 =	vmov s3  }
0x159: {  	[tilespmem:v19+s28+$0x0] =	vst.idx.msk $0xffff, v20;
	v19 =	vshll.u32 v22, $0x3  }
0x15a: {  	[tilespmem:v18+s28+$0x0] =	vst.idx.msk $0xffff, v17;
	v17 =	vand.u32 $0x73, v22;
	v18 =	vand.u32 $0xC00, v19  }
0x15b: {  	v19 =	vld.idx.msk [tilespmem:v21+s13+$0x0], $0xffff;
	v17 =	vor.u32 v17, v18  }
0x15c: {  	v16 =	vld.idx.msk [tilespmem:v16+s13+$0x0], $0xffff;
	v18 =	vor.u32 v2, v17  }
0x15d: {  	v17 =	vor.u32 v3, v17  }
0x15e: {  	v20 =	vor.u32 v0, v15  }
0x15f: {  	s3 =	sadd.s32 $0xFFFFFFF5, s29;
	v15 =	vor.u32 v1, v15  }
0x160: {  	v21 =	vmov s3  }
0x161: {  	[tilespmem:v18+s28+$0x0] =	vst.idx.msk $0xffff, v19;
	v18 =	vshll.u32 v21, $0x3  }
0x162: {  	[tilespmem:v17+s28+$0x0] =	vst.idx.msk $0xffff, v16;
	v16 =	vand.u32 $0x74, v21;
	v17 =	vand.u32 $0xC00, v18  }
0x163: {  	v18 =	vld.idx.msk [tilespmem:v20+s14+$0x0], $0xffff;
	v16 =	vor.u32 v16, v17  }
0x164: {  	v15 =	vld.idx.msk [tilespmem:v15+s14+$0x0], $0xffff;
	v17 =	vor.u32 v2, v16  }
0x165: {  	v16 =	vor.u32 v3, v16  }
0x166: {  	v19 =	vor.u32 v0, v14  }
0x167: {  	s3 =	sadd.s32 $0xFFFFFFF6, s29;
	v14 =	vor.u32 v1, v14  }
0x168: {  	v20 =	vmov s3  }
0x169: {  	[tilespmem:v17+s28+$0x0] =	vst.idx.msk $0xffff, v18;
	v17 =	vshll.u32 v20, $0x3  }
0x16a: {  	[tilespmem:v16+s28+$0x0] =	vst.idx.msk $0xffff, v15;
	v15 =	vand.u32 $0x75, v20;
	v16 =	vand.u32 $0xC00, v17  }
0x16b: {  	v17 =	vld.idx.msk [tilespmem:v19+s15+$0x0], $0xffff;
	v15 =	vor.u32 v15, v16  }
0x16c: {  	v14 =	vld.idx.msk [tilespmem:v14+s15+$0x0], $0xffff;
	v16 =	vor.u32 v2, v15  }
0x16d: {  	v15 =	vor.u32 v3, v15  }
0x16e: {  	v18 =	vor.u32 v0, v13  }
0x16f: {  	s3 =	sadd.s32 $0xFFFFFFF7, s29;
	v13 =	vor.u32 v1, v13  }
0x170: {  	v19 =	vmov s3  }
0x171: {  	[tilespmem:v16+s28+$0x0] =	vst.idx.msk $0xffff, v17;
	v16 =	vshll.u32 v19, $0x3  }
0x172: {  	[tilespmem:v15+s28+$0x0] =	vst.idx.msk $0xffff, v14;
	v14 =	vand.u32 $0x76, v19;
	v15 =	vand.u32 $0xC00, v16  }
0x173: {  	v16 =	vld.idx.msk [tilespmem:v18+s16+$0x0], $0xffff;
	v14 =	vor.u32 v14, v15  }
0x174: {  	v13 =	vld.idx.msk [tilespmem:v13+s16+$0x0], $0xffff;
	v15 =	vor.u32 v2, v14  }
0x175: {  	v14 =	vor.u32 v3, v14  }
0x176: {  	v17 =	vor.u32 v0, v12  }
0x177: {  	s3 =	sadd.s32 $0xFFFFFFF8, s29;
	v12 =	vor.u32 v1, v12  }
0x178: {  	v18 =	vmov s3  }
0x179: {  	[tilespmem:v15+s28+$0x0] =	vst.idx.msk $0xffff, v16;
	v15 =	vshll.u32 v18, $0x3  }
0x17a: {  	[tilespmem:v14+s28+$0x0] =	vst.idx.msk $0xffff, v13;
	v13 =	vand.u32 $0x77, v18;
	v14 =	vand.u32 $0xC00, v15  }
0x17b: {  	v15 =	vld.idx.msk [tilespmem:v17+s17+$0x0], $0xffff;
	v13 =	vor.u32 v13, v14  }
0x17c: {  	v12 =	vld.idx.msk [tilespmem:v12+s17+$0x0], $0xffff;
	v14 =	vor.u32 v2, v13  }
0x17d: {  	v13 =	vor.u32 v3, v13  }
0x17e: {  	v16 =	vor.u32 v0, v11  }
0x17f: {  	s3 =	sadd.s32 $0xFFFFFFF9, s29;
	v11 =	vor.u32 v1, v11  }
0x180: {  	v17 =	vmov s3  }
0x181: {  	[tilespmem:v14+s28+$0x0] =	vst.idx.msk $0xffff, v15;
	v14 =	vshll.u32 v17, $0x3  }
0x182: {  	[tilespmem:v13+s28+$0x0] =	vst.idx.msk $0xffff, v12;
	v12 =	vand.u32 $0x78, v17;
	v13 =	vand.u32 $0xC00, v14  }
0x183: {  	v14 =	vld.idx.msk [tilespmem:v16+s18+$0x0], $0xffff;
	v12 =	vor.u32 v12, v13  }
0x184: {  	v11 =	vld.idx.msk [tilespmem:v11+s18+$0x0], $0xffff;
	v13 =	vor.u32 v2, v12  }
0x185: {  	v12 =	vor.u32 v3, v12  }
0x186: {  	v15 =	vor.u32 v0, v10  }
0x187: {  	s3 =	sadd.s32 $0xFFFFFFFA, s29;
	v10 =	vor.u32 v1, v10  }
0x188: {  	v16 =	vmov s3  }
0x189: {  	[tilespmem:v13+s28+$0x0] =	vst.idx.msk $0xffff, v14;
	v13 =	vshll.u32 v16, $0x3  }
0x18a: {  	[tilespmem:v12+s28+$0x0] =	vst.idx.msk $0xffff, v11;
	v11 =	vand.u32 $0x79, v16;
	v12 =	vand.u32 $0xC00, v13  }
0x18b: {  	v13 =	vld.idx.msk [tilespmem:v15+s19+$0x0], $0xffff;
	v11 =	vor.u32 v11, v12  }
0x18c: {  	v10 =	vld.idx.msk [tilespmem:v10+s19+$0x0], $0xffff;
	v12 =	vor.u32 v2, v11  }
0x18d: {  	v11 =	vor.u32 v3, v11  }
0x18e: {  	v14 =	vor.u32 v0, v9  }
0x18f: {  	s3 =	sadd.s32 $0xFFFFFFFB, s29;
	v9 =	vor.u32 v1, v9  }
0x190: {  	v15 =	vmov s3  }
0x191: {  	[tilespmem:v12+s28+$0x0] =	vst.idx.msk $0xffff, v13;
	v12 =	vshll.u32 v15, $0x3  }
0x192: {  	[tilespmem:v11+s28+$0x0] =	vst.idx.msk $0xffff, v10;
	v10 =	vand.u32 $0x7A, v15;
	v11 =	vand.u32 $0xC00, v12  }
0x193: {  	v12 =	vld.idx.msk [tilespmem:v14+s20+$0x0], $0xffff;
	v10 =	vor.u32 v10, v11  }
0x194: {  	v9 =	vld.idx.msk [tilespmem:v9+s20+$0x0], $0xffff;
	v11 =	vor.u32 v2, v10  }
0x195: {  	v10 =	vor.u32 v3, v10  }
0x196: {  	v13 =	vor.u32 v0, v8  }
0x197: {  	s3 =	sadd.s32 $0xFFFFFFFC, s29;
	v8 =	vor.u32 v1, v8  }
0x198: {  	v14 =	vmov s3  }
0x199: {  	[tilespmem:v11+s28+$0x0] =	vst.idx.msk $0xffff, v12;
	v11 =	vshll.u32 v14, $0x3  }
0x19a: {  	[tilespmem:v10+s28+$0x0] =	vst.idx.msk $0xffff, v9;
	v9 =	vand.u32 $0x7B, v14;
	v10 =	vand.u32 $0xC00, v11  }
0x19b: {  	v11 =	vld.idx.msk [tilespmem:v13+s21+$0x0], $0xffff;
	v9 =	vor.u32 v9, v10  }
0x19c: {  	v8 =	vld.idx.msk [tilespmem:v8+s21+$0x0], $0xffff;
	v10 =	vor.u32 v2, v9  }
0x19d: {  	v9 =	vor.u32 v3, v9  }
0x19e: {  	v12 =	vor.u32 v0, v7  }
0x19f: {  	s3 =	sadd.s32 $0xFFFFFFFD, s29;
	v7 =	vor.u32 v1, v7  }
0x1a0: {  	v13 =	vmov s3  }
0x1a1: {  	[tilespmem:v10+s28+$0x0] =	vst.idx.msk $0xffff, v11;
	v10 =	vshll.u32 v13, $0x3  }
0x1a2: {  	[tilespmem:v9+s28+$0x0] =	vst.idx.msk $0xffff, v8;
	v8 =	vand.u32 $0x7C, v13;
	v9 =	vand.u32 $0xC00, v10  }
0x1a3: {  	v10 =	vld.idx.msk [tilespmem:v12+s22+$0x0], $0xffff;
	v8 =	vor.u32 v8, v9  }
0x1a4: {  	v7 =	vld.idx.msk [tilespmem:v7+s22+$0x0], $0xffff;
	v9 =	vor.u32 v2, v8  }
0x1a5: {  	v8 =	vor.u32 v3, v8  }
0x1a6: {  	v11 =	vor.u32 v0, v6  }
0x1a7: {  	s3 =	sadd.s32 $0xFFFFFFFE, s29;
	v6 =	vor.u32 v1, v6  }
0x1a8: {  	v12 =	vmov s3  }
0x1a9: {  	[tilespmem:v9+s28+$0x0] =	vst.idx.msk $0xffff, v10;
	v9 =	vshll.u32 v12, $0x3  }
0x1aa: {  	[tilespmem:v8+s28+$0x0] =	vst.idx.msk $0xffff, v7;
	v7 =	vand.u32 $0x7D, v12;
	v8 =	vand.u32 $0xC00, v9  }
0x1ab: {  	v9 =	vld.idx.msk [tilespmem:v11+s23+$0x0], $0xffff;
	v7 =	vor.u32 v7, v8  }
0x1ac: {  	v6 =	vld.idx.msk [tilespmem:v6+s23+$0x0], $0xffff;
	v8 =	vor.u32 v2, v7  }
0x1ad: {  	v7 =	vor.u32 v3, v7  }
0x1ae: {  	v10 =	vor.u32 v0, v5  }
0x1af: {  	s3 =	sadd.s32 $0xFFFFFFFF, s29;
	v5 =	vor.u32 v1, v5  }
0x1b0: {  	v11 =	vmov s3  }
0x1b1: {  	[tilespmem:v8+s28+$0x0] =	vst.idx.msk $0xffff, v9;
	v8 =	vshll.u32 v11, $0x3  }
0x1b2: {  	[tilespmem:v7+s28+$0x0] =	vst.idx.msk $0xffff, v6;
	v6 =	vand.u32 $0x7E, v11;
	v7 =	vand.u32 $0xC00, v8  }
0x1b3: {  	v8 =	vld.idx.msk [tilespmem:v10+s24+$0x0], $0xffff;
	v6 =	vor.u32 v6, v7  }
0x1b4: {  	v5 =	vld.idx.msk [tilespmem:v5+s24+$0x0], $0xffff;
	v7 =	vor.u32 v2, v6  }
0x1b5: {  	v6 =	vor.u32 v3, v6  }
0x1b6: {  	v9 =	vor.u32 v0, v4  }
0x1b7: {  	v4 =	vor.u32 v1, v4  }
0x1b8: {  	v10 =	vmov s29  }
0x1b9: {  	[tilespmem:v7+s28+$0x0] =	vst.idx.msk $0xffff, v8;
	v7 =	vshll.u32 v10, $0x3  }
0x1ba: {  	[tilespmem:v6+s28+$0x0] =	vst.idx.msk $0xffff, v5;
	v5 =	vand.u32 $0x7F, v10;
	v6 =	vand.u32 $0xC00, v7  }
0x1bb: {  	v7 =	vld.idx.msk [tilespmem:v9+s25+$0x0], $0xffff;
	v5 =	vor.u32 v5, v6  }
0x1bc: {  	v4 =	vld.idx.msk [tilespmem:v4+s25+$0x0], $0xffff;
	v6 =	vor.u32 v2, v5  }
.Ltmp0:
0x1bd: {  	v5 =	vor.u32 v3, v5;
	(pc) =	sbr.rel @p0 .LBB2_2-.Ltmp0, $2  }
0x1be: {  	_ =	sdelay $0x2  }
0x1bf: {  	[tilespmem:v6+s28+$0x0] =	vst.idx.msk $0xffff, v7  }
0x1c0: {  	_ =	sdelay $0x1  }
0x1c1: {  	s31 =	sadd.s32 $0x1, s31  }
0x1c2: {  	p0 =	sne.s32 s31, s6  }
.Ltmp1:
0x1c3: {  	[tilespmem:v5+s28+$0x0] =	vst.idx.msk $0xffff, v4;
	s1 =	simm.s32 $0x1000;
	s2 =	simm.s32 $0x20000;
	(pc) =	sbr.rel @p0 .LBB2_1-.Ltmp1, $4  }
0x1c4: {  	[hbm4b:s5+s1] =	stream.strided.scatter [tilespmem:s28], [sflag:$0x2], $0x4000, s2, s1, $0x38;
	[tilespmem:$0x14200] =	vst v63  }
0x1c5: {  	_ =	swait.ge [sflag:s7], $0x4000  }
0x1c6: {  	[sflag:s7] =	ssyncset.done $0x0  }
0x1c7: {  	[sflag:s7] =	ssyncadd.s32 $0xFFFFC000  }
0x1c8: {  	_ =	sfence.sel $0x180000  }
0x1c9: {  	[bflag:$0x0] =	sbarrier.arrive $0xFFFF  }
0x1ca: {  	_ =	strace $0x90000047  }
0x1cb: {  	s0 =	stileid.u32;
	[bflag:$0x2] =	sbarrier.arrive $0xFFFF  }
0x1cc: {  	p0 =	sne.s32 s0, $0x0;
	s0 =	rddreg [dreg:$0x3]  }
0x1cd: {  	s0 =	sadd.s32 @!p0 $0x100000, s0  }
0x1ce: {  	[sflag:s0] =	ssyncadd.tile.s32 @!p0 $0x1;
	_ =	shalt  }
.Lfunc_end2:
_tile_overlayer_lowered:
.L_overlay_start_2:
0x1cf: {  	(tag) =	ssettag $0x2  }
0x1d0: {  	s0 =	rddreg [dreg:$0x0];
	s2 =	stileid.u32  }
0x1d1: {  	s1 =	rddreg [dreg:$0x1];
	p0 =	sne.s32 s2, $0x0  }
0x1d2: {  	s3 =	rddreg [dreg:$0x2];
	[bflag:$0x3] =	sbarrier.arrive $0xFFFF;
	s2 =	simm.s32 @!p0 $0x1C02  }
0x1d3: {  	[timem:s3], [sflag:s2] =	dma.local @!p0 [hbm:s0], s1  }
0x1d4: {  	s0 =	simm.s32 @!p0 $0x2  }
0x1d5: {  	_ =	swait.ge @!p0 [sflag:s0], s1  }
0x1d6: {  	s1 =	ssub.s32 @!p0 $0x0, s1;
	[sflag:s0] =	ssyncset.done @!p0 $0x0  }
0x1d7: {  	[sflag:s0] =	ssyncadd.s32 @!p0 s1  }
0x1d8: {  	[bflag:$0x3] =	sbarrier.arrive $0xFFFF  }
0x1d9: {  	_ =	shalt  }

</sc_bundles>
